<compile_context>
chip_gen: v7x
topology: tpu7x:2x2x1
jax: 0.10.2.dev20260603
libtpu: 0.0.44.dev20260713+nightly
codegen_flags: <defaults>
</compile_context>

<pallas_src>
import functools

import jax
import jax.numpy as jnp
from jax import lax
from jax.experimental import pallas as pl
from jax.experimental.pallas import tpu as pltpu
from jax.experimental.pallas import tpu_sc as plsc

N = 10000
E = 320000
D = 128
NC = 2
NS = 16
NW = NC * NS
L = 16

EPT = E // NW
CHUNK = 40
NCHUNK = EPT // CHUNK
NA = 5120
RPT = NA // NS


def _edge_aggregate(x, edge_attr, src, dst):
    mesh = plsc.VectorSubcoreMesh(core_axis_name="c", subcore_axis_name="s")

    @functools.partial(
        pl.kernel,
        mesh=mesh,
        out_type=[
            jax.ShapeDtypeStruct((NC * NA, D), jnp.float32),
            jax.ShapeDtypeStruct((NC * NA, L), jnp.float32),
        ],
        scratch_types=[
            pltpu.VMEM_SHARED((NA, D), jnp.float32),
            pltpu.VMEM_SHARED((NA, L), jnp.float32),
            pltpu.VMEM((CHUNK,), jnp.int32),
            pltpu.VMEM((CHUNK,), jnp.int32),
            pltpu.VMEM((CHUNK, D), jnp.float32),
            pltpu.VMEM((CHUNK, D), jnp.float32),
            pltpu.VMEM((CHUNK, L), jnp.float32),
            pltpu.SemaphoreType.DMA,
        ],
    )
    def agg(x_hbm, attr_hbm, src_hbm, dst_hbm,
            part_hbm, degp_hbm,
            acc_sh, deg_sh, sidx_v, didx_v, rows_v, attr_v, ones_v, sem):
        c = lax.axis_index("c")
        s = lax.axis_index("s")
        wid = s * NC + c
        base_r = s * RPT

        def zero_rows(i, acc):
            for j in range(D // L):
                rows_v[i, pl.ds(j * L, L)] = jnp.zeros((L,), jnp.float32)
            ones_v[i, :] = jnp.zeros((L,), jnp.float32)
            return acc

        lax.fori_loop(0, CHUNK, zero_rows, 0)
        for k in range(RPT // CHUNK):
            r = base_r + k * CHUNK
            pltpu.sync_copy(rows_v, acc_sh.at[pl.ds(r, CHUNK)])
            pltpu.sync_copy(ones_v, deg_sh.at[pl.ds(r, CHUNK)])

        def fill_ones(i, acc):
            ones_v[i, :] = jnp.ones((L,), jnp.float32)
            return acc

        lax.fori_loop(0, CHUNK, fill_ones, 0)
        plsc.subcore_barrier()

        ebase = wid * EPT

        def chunk_body(g, carry):
            b = ebase + g * CHUNK
            pltpu.sync_copy(src_hbm.at[pl.ds(b, CHUNK)], sidx_v)
            pltpu.sync_copy(dst_hbm.at[pl.ds(b, CHUNK)], didx_v)
            pltpu.async_copy(x_hbm.at[sidx_v], rows_v, sem).wait()
            pltpu.sync_copy(attr_hbm.at[pl.ds(b, CHUNK)], attr_v)

            def row_add(i, acc):
                for j in range(D // L):
                    plsc.addupdate(rows_v.at[i, pl.ds(j * L, L)],
                                   attr_v[i, pl.ds(j * L, L)])
                return acc

            lax.fori_loop(0, CHUNK, row_add, 0)
            pltpu.sync_copy(rows_v, acc_sh.at[didx_v], add=True)
            pltpu.sync_copy(ones_v, deg_sh.at[didx_v], add=True)
            return carry

        lax.fori_loop(0, NCHUNK, chunk_body, 0)
        plsc.subcore_barrier()

        out_r = c * NA + base_r
        for k in range(RPT // CHUNK):
            r = base_r + k * CHUNK
            o = out_r + k * CHUNK
            pltpu.sync_copy(acc_sh.at[pl.ds(r, CHUNK)], rows_v)
            pltpu.sync_copy(rows_v, part_hbm.at[pl.ds(o, CHUNK)])
            pltpu.sync_copy(deg_sh.at[pl.ds(r, CHUNK)], ones_v)
            pltpu.sync_copy(ones_v, degp_hbm.at[pl.ds(o, CHUNK)])

    return agg(x, edge_attr, src, dst)


def kernel(x, edge_attr, weights, h_bias, edge_index):
    src = edge_index[0]
    dst = jnp.mod(edge_index[1], NA)
    part, degp = _edge_aggregate(x, edge_attr, src, dst)
    h = jnp.dot(part[:N], weights) + h_bias + degp[:N, 0:1]
    return h

# --- scband reference (transcript-rebuilt; emitter-appended) ---
"""Pipeline reference for scband-graph-convwith-edge-feat-31688268709951 (READ-ONLY COPY).

The authoritative reference and input builder live on the scoring server;
editing this copy changes nothing except your own understanding.
"""

import jax, jax.numpy as jnp
import numpy as np

N = 10000
E = 320000
D_IN = 128
D_OUT = 128


def setup_inputs(seed: int = 0) -> dict:
    key = jax.random.key(seed)
    k1, k2, k3, k4 = jax.random.split(key, 4)
    x = jax.random.normal(k1, (N, D_IN), dtype=jnp.float32)
    edge_attr = jax.random.normal(k2, (E, D_IN), dtype=jnp.float32)
    edge_index = jax.random.randint(k3, (2, E), 0, N, dtype=jnp.int32)
    # xavier_uniform init for weights of shape (in_feat, out_feat)
    limit = float(np.sqrt(6.0 / (D_IN + D_OUT)))
    weights = jax.random.uniform(k4, (D_IN, D_OUT), dtype=jnp.float32, minval=-limit, maxval=limit)
    h_bias = jnp.zeros((D_OUT,), dtype=jnp.float32)
    return {"x": x, "edge_attr": edge_attr, "weights": weights, "h_bias": h_bias, "edge_index": edge_index}


def reference(x, edge_attr, weights, h_bias, edge_index):
    src = edge_index[0]
    dst = edge_index[1]
    # edge_feat_mp_op == 'add': message = (src_feat + edge_feat) @ W  (per edge)
    m = (x[src] + edge_attr) @ weights
    # in-degree normalization: norm = in_deg^{-0.5} on destination nodes
    in_deg = jax.ops.segment_sum(jnp.ones((E,), dtype=jnp.float32), dst, num_segments=N)
    norm = jnp.power(in_deg, -0.5)
    # e_mul_v: multiply each edge message by dst-node norm, then sum-aggregate to dst
    n_m = m * norm[dst][:, None]
    h = jax.ops.segment_sum(n_m, dst, num_segments=N)
    h = h + h_bias
    return h

if __name__ == "__main__":
    import jax
    _d = setup_inputs()
    print(jax.jit(kernel)(*tuple(_d.values())))

</pallas_src>

<mosaic_0001>
#map = affine_map<(d0, d1) -> (0, 0)>
#map1 = affine_map<(d0, d1) -> (0)>
module attributes {stable_mosaic.version = 14 : i64} {
  func.func @agg(%arg0: i32, %arg1: i32, %arg2: memref<10000x128xf32, #tpu.memory_space<hbm>>, %arg3: memref<320000x128xf32, #tpu.memory_space<hbm>>, %arg4: memref<320000xi32, #tpu.memory_space<hbm>>, %arg5: memref<320000xi32, #tpu.memory_space<hbm>>, %arg6: memref<10240x128xf32, #tpu.memory_space<hbm>>, %arg7: memref<10240x16xf32, #tpu.memory_space<hbm>>, %arg8: memref<5120x128xf32, #tpu.memory_space<vmem_shared>>, %arg9: memref<5120x16xf32, #tpu.memory_space<vmem_shared>>, %arg10: memref<40xi32, #tpu.memory_space<vmem>>, %arg11: memref<40xi32, #tpu.memory_space<vmem>>, %arg12: memref<40x128xf32, #tpu.memory_space<vmem>>, %arg13: memref<40x128xf32, #tpu.memory_space<vmem>>, %arg14: memref<40x16xf32, #tpu.memory_space<vmem>>, %arg15: memref<!tpu.dma_semaphore, #tpu.memory_space<semaphore_mem>>) attributes {dimension_semantics = [#tpu.dimension_semantics<core_parallel>, #tpu.dimension_semantics<subcore_parallel>], iteration_bounds = array<i64: 2, 16>, scalar_prefetch = 0 : i64, scratch_operands = 8 : i64, tpu.core_type = #tpu.core_type<sc_vector_subcore>, window_params = [{transform_indices = #map}, {transform_indices = #map}, {transform_indices = #map1}, {transform_indices = #map1}, {transform_indices = #map}, {transform_indices = #map}]} {
    %mul3A = arith.constant 2 : i32
    %mul3A_0 = arith.muli %arg1, %mul3A : i32
    %add3A = arith.addi %mul3A_0, %arg0 : i32
    %mul3A_1 = arith.constant 320 : i32
    %mul3A_2 = arith.muli %arg1, %mul3A_1 : i32
    %scan3A = arith.constant 0 : i32
    %scan3A_3 = arith.constant 0 : i32
    %scan3A_4 = arith.constant 40 : i32
    %scan3A_5 = arith.addi %scan3A_3, %scan3A_4 : i32
    %scan3A_6 = arith.constant 1 : i32
    scf.for %scan3A_74 = %scan3A_3 to %scan3A_5 step %scan3A_6  : i32 {
      %broadcast_in_dim3A = arith.constant 0.000000e+00 : f32
      %broadcast_in_dim3A_75 = vector.broadcast %broadcast_in_dim3A : f32 to vector<16xf32>
      %swap3A = arith.index_cast %scan3A_74 : i32 to index
      %swap3A_76 = arith.constant 0 : index
      %swap3A_77 = tpu.vector_load %arg12[%swap3A, %swap3A_76] {strides = array<i32>} : memref<40x128xf32, #tpu.memory_space<vmem>>, vector<1x16xf32>,
      %swap3A_78 = vector.shape_cast %swap3A_77 : vector<1x16xf32> to vector<16xf32>
      %swap3A_79 = vector.shape_cast %broadcast_in_dim3A_75 : vector<16xf32> to vector<1x16xf32>
      tpu.vector_store %arg12[%swap3A, %swap3A_76], %swap3A_79 {strides = array<i32>} : memref<40x128xf32, #tpu.memory_space<vmem>>, vector<1x16xf32>,
      %broadcast_in_dim3A_80 = arith.constant 0.000000e+00 : f32
      %broadcast_in_dim3A_81 = vector.broadcast %broadcast_in_dim3A_80 : f32 to vector<16xf32>
      %swap3A_82 = arith.index_cast %scan3A_74 : i32 to index
      %swap3A_83 = arith.constant 16 : index
      %swap3A_84 = tpu.vector_load %arg12[%swap3A_82, %swap3A_83] {strides = array<i32>} : memref<40x128xf32, #tpu.memory_space<vmem>>, vector<1x16xf32>,
      %swap3A_85 = vector.shape_cast %swap3A_84 : vector<1x16xf32> to vector<16xf32>
      %swap3A_86 = vector.shape_cast %broadcast_in_dim3A_81 : vector<16xf32> to vector<1x16xf32>
      tpu.vector_store %arg12[%swap3A_82, %swap3A_83], %swap3A_86 {strides = array<i32>} : memref<40x128xf32, #tpu.memory_space<vmem>>, vector<1x16xf32>,
      %broadcast_in_dim3A_87 = arith.constant 0.000000e+00 : f32
      %broadcast_in_dim3A_88 = vector.broadcast %broadcast_in_dim3A_87 : f32 to vector<16xf32>
      %swap3A_89 = arith.index_cast %scan3A_74 : i32 to index
      %swap3A_90 = arith.constant 32 : index
      %swap3A_91 = tpu.vector_load %arg12[%swap3A_89, %swap3A_90] {strides = array<i32>} : memref<40x128xf32, #tpu.memory_space<vmem>>, vector<1x16xf32>,
      %swap3A_92 = vector.shape_cast %swap3A_91 : vector<1x16xf32> to vector<16xf32>
      %swap3A_93 = vector.shape_cast %broadcast_in_dim3A_88 : vector<16xf32> to vector<1x16xf32>
      tpu.vector_store %arg12[%swap3A_89, %swap3A_90], %swap3A_93 {strides = array<i32>} : memref<40x128xf32, #tpu.memory_space<vmem>>, vector<1x16xf32>,
      %broadcast_in_dim3A_94 = arith.constant 0.000000e+00 : f32
      %broadcast_in_dim3A_95 = vector.broadcast %broadcast_in_dim3A_94 : f32 to vector<16xf32>
      %swap3A_96 = arith.index_cast %scan3A_74 : i32 to index
      %swap3A_97 = arith.constant 48 : index
      %swap3A_98 = tpu.vector_load %arg12[%swap3A_96, %swap3A_97] {strides = array<i32>} : memref<40x128xf32, #tpu.memory_space<vmem>>, vector<1x16xf32>,
      %swap3A_99 = vector.shape_cast %swap3A_98 : vector<1x16xf32> to vector<16xf32>
      %swap3A_100 = vector.shape_cast %broadcast_in_dim3A_95 : vector<16xf32> to vector<1x16xf32>
      tpu.vector_store %arg12[%swap3A_96, %swap3A_97], %swap3A_100 {strides = array<i32>} : memref<40x128xf32, #tpu.memory_space<vmem>>, vector<1x16xf32>,
      %broadcast_in_dim3A_101 = arith.constant 0.000000e+00 : f32
      %broadcast_in_dim3A_102 = vector.broadcast %broadcast_in_dim3A_101 : f32 to vector<16xf32>
      %swap3A_103 = arith.index_cast %scan3A_74 : i32 to index
      %swap3A_104 = arith.constant 64 : index
      %swap3A_105 = tpu.vector_load %arg12[%swap3A_103, %swap3A_104] {strides = array<i32>} : memref<40x128xf32, #tpu.memory_space<vmem>>, vector<1x16xf32>,
      %swap3A_106 = vector.shape_cast %swap3A_105 : vector<1x16xf32> to vector<16xf32>
      %swap3A_107 = vector.shape_cast %broadcast_in_dim3A_102 : vector<16xf32> to vector<1x16xf32>
      tpu.vector_store %arg12[%swap3A_103, %swap3A_104], %swap3A_107 {strides = array<i32>} : memref<40x128xf32, #tpu.memory_space<vmem>>, vector<1x16xf32>,
      %broadcast_in_dim3A_108 = arith.constant 0.000000e+00 : f32
      %broadcast_in_dim3A_109 = vector.broadcast %broadcast_in_dim3A_108 : f32 to vector<16xf32>
      %swap3A_110 = arith.index_cast %scan3A_74 : i32 to index
      %swap3A_111 = arith.constant 80 : index
      %swap3A_112 = tpu.vector_load %arg12[%swap3A_110, %swap3A_111] {strides = array<i32>} : memref<40x128xf32, #tpu.memory_space<vmem>>, vector<1x16xf32>,
      %swap3A_113 = vector.shape_cast %swap3A_112 : vector<1x16xf32> to vector<16xf32>
      %swap3A_114 = vector.shape_cast %broadcast_in_dim3A_109 : vector<16xf32> to vector<1x16xf32>
      tpu.vector_store %arg12[%swap3A_110, %swap3A_111], %swap3A_114 {strides = array<i32>} : memref<40x128xf32, #tpu.memory_space<vmem>>, vector<1x16xf32>,
      %broadcast_in_dim3A_115 = arith.constant 0.000000e+00 : f32
      %broadcast_in_dim3A_116 = vector.broadcast %broadcast_in_dim3A_115 : f32 to vector<16xf32>
      %swap3A_117 = arith.index_cast %scan3A_74 : i32 to index
      %swap3A_118 = arith.constant 96 : index
      %swap3A_119 = tpu.vector_load %arg12[%swap3A_117, %swap3A_118] {strides = array<i32>} : memref<40x128xf32, #tpu.memory_space<vmem>>, vector<1x16xf32>,
      %swap3A_120 = vector.shape_cast %swap3A_119 : vector<1x16xf32> to vector<16xf32>
      %swap3A_121 = vector.shape_cast %broadcast_in_dim3A_116 : vector<16xf32> to vector<1x16xf32>
      tpu.vector_store %arg12[%swap3A_117, %swap3A_118], %swap3A_121 {strides = array<i32>} : memref<40x128xf32, #tpu.memory_space<vmem>>, vector<1x16xf32>,
      %broadcast_in_dim3A_122 = arith.constant 0.000000e+00 : f32
      %broadcast_in_dim3A_123 = vector.broadcast %broadcast_in_dim3A_122 : f32 to vector<16xf32>
      %swap3A_124 = arith.index_cast %scan3A_74 : i32 to index
      %swap3A_125 = arith.constant 112 : index
      %swap3A_126 = tpu.vector_load %arg12[%swap3A_124, %swap3A_125] {strides = array<i32>} : memref<40x128xf32, #tpu.memory_space<vmem>>, vector<1x16xf32>,
      %swap3A_127 = vector.shape_cast %swap3A_126 : vector<1x16xf32> to vector<16xf32>
      %swap3A_128 = vector.shape_cast %broadcast_in_dim3A_123 : vector<16xf32> to vector<1x16xf32>
      tpu.vector_store %arg12[%swap3A_124, %swap3A_125], %swap3A_128 {strides = array<i32>} : memref<40x128xf32, #tpu.memory_space<vmem>>, vector<1x16xf32>,
      %broadcast_in_dim3A_129 = arith.constant 0.000000e+00 : f32
      %broadcast_in_dim3A_130 = vector.broadcast %broadcast_in_dim3A_129 : f32 to vector<16xf32>
      %swap3A_131 = arith.index_cast %scan3A_74 : i32 to index
      %swap3A_132 = arith.constant 0 : index
      %swap3A_133 = tpu.vector_load %arg14[%swap3A_131, %swap3A_132] {strides = array<i32>} : memref<40x16xf32, #tpu.memory_space<vmem>>, vector<1x16xf32>,
      %swap3A_134 = vector.shape_cast %swap3A_133 : vector<1x16xf32> to vector<16xf32>
      %swap3A_135 = vector.shape_cast %broadcast_in_dim3A_130 : vector<16xf32> to vector<1x16xf32>
      tpu.vector_store %arg14[%swap3A_131, %swap3A_132], %swap3A_135 {strides = array<i32>} : memref<40x16xf32, #tpu.memory_space<vmem>>, vector<1x16xf32>,
    }
    %scan3A_7 = arith.constant 40 : i32
    %add3A_8 = arith.constant 0 : i32
    %add3A_9 = arith.addi %mul3A_2, %add3A_8 : i32
    "tpu.region"() ({
      %run_scoped3A = tpu.sem_alloc : memref<!tpu.dma_semaphore, #tpu.memory_space<semaphore_mem>>
      %dma_start3A = arith.constant 0 : i32
      %dma_start3A_74 = tpu.memref_slice %arg8[%add3A_9, %dma_start3A] : memref<5120x128xf32, #tpu.memory_space<vmem_shared>> -> memref<40x128xf32, #tpu.memory_space<vmem_shared>>
      %dma_start3A_75 = arith.constant 0 : i32
      %dma_start3A_76 = tpu.memref_slice %arg8[%add3A_9, %dma_start3A_75] : memref<5120x128xf32, #tpu.memory_space<vmem_shared>> -> memref<40x128xf32, #tpu.memory_space<vmem_shared>>
      tpu.enqueue_dma source(%arg12 : memref<40x128xf32, #tpu.memory_space<vmem>>) target(%dma_start3A_76 : memref<40x128xf32, #tpu.memory_space<vmem_shared>>) target_semaphore(%run_scoped3A : memref<!tpu.dma_semaphore, #tpu.memory_space<semaphore_mem>>)
      %dma_wait3A = arith.constant 0 : i32
      %dma_wait3A_77 = tpu.memref_slice %arg8[%add3A_9, %dma_wait3A] : memref<5120x128xf32, #tpu.memory_space<vmem_shared>> -> memref<40x128xf32, #tpu.memory_space<vmem_shared>>
      %dma_wait3A_78 = arith.constant 0 : i32
      %dma_wait3A_79 = tpu.memref_slice %arg8[%add3A_9, %dma_wait3A_78] : memref<5120x128xf32, #tpu.memory_space<vmem_shared>> -> memref<40x128xf32, #tpu.memory_space<vmem_shared>>
      tpu.wait_dma2 semaphore(%run_scoped3A : memref<!tpu.dma_semaphore, #tpu.memory_space<semaphore_mem>>) src(%arg12 : memref<40x128xf32, #tpu.memory_space<vmem>>) dst(%dma_wait3A_79 : memref<40x128xf32, #tpu.memory_space<vmem_shared>>)
      tpu.yield
    }) : () -> ()
    "tpu.region"() ({
      %run_scoped3A = tpu.sem_alloc : memref<!tpu.dma_semaphore, #tpu.memory_space<semaphore_mem>>
      %dma_start3A = arith.constant 0 : i32
      %dma_start3A_74 = tpu.memref_slice %arg9[%add3A_9, %dma_start3A] : memref<5120x16xf32, #tpu.memory_space<vmem_shared>> -> memref<40x16xf32, #tpu.memory_space<vmem_shared>>
      %dma_start3A_75 = arith.constant 0 : i32
      %dma_start3A_76 = tpu.memref_slice %arg9[%add3A_9, %dma_start3A_75] : memref<5120x16xf32, #tpu.memory_space<vmem_shared>> -> memref<40x16xf32, #tpu.memory_space<vmem_shared>>
      tpu.enqueue_dma source(%arg14 : memref<40x16xf32, #tpu.memory_space<vmem>>) target(%dma_start3A_76 : memref<40x16xf32, #tpu.memory_space<vmem_shared>>) target_semaphore(%run_scoped3A : memref<!tpu.dma_semaphore, #tpu.memory_space<semaphore_mem>>)
      %dma_wait3A = arith.constant 0 : i32
      %dma_wait3A_77 = tpu.memref_slice %arg9[%add3A_9, %dma_wait3A] : memref<5120x16xf32, #tpu.memory_space<vmem_shared>> -> memref<40x16xf32, #tpu.memory_space<vmem_shared>>
      %dma_wait3A_78 = arith.constant 0 : i32
      %dma_wait3A_79 = tpu.memref_slice %arg9[%add3A_9, %dma_wait3A_78] : memref<5120x16xf32, #tpu.memory_space<vmem_shared>> -> memref<40x16xf32, #tpu.memory_space<vmem_shared>>
      tpu.wait_dma2 semaphore(%run_scoped3A : memref<!tpu.dma_semaphore, #tpu.memory_space<semaphore_mem>>) src(%arg14 : memref<40x16xf32, #tpu.memory_space<vmem>>) dst(%dma_wait3A_79 : memref<40x16xf32, #tpu.memory_space<vmem_shared>>)
      tpu.yield
    }) : () -> ()
    %add3A_10 = arith.constant 40 : i32
    %add3A_11 = arith.addi %mul3A_2, %add3A_10 : i32
    "tpu.region"() ({
      %run_scoped3A = tpu.sem_alloc : memref<!tpu.dma_semaphore, #tpu.memory_space<semaphore_mem>>
      %dma_start3A = arith.constant 0 : i32
      %dma_start3A_74 = tpu.memref_slice %arg8[%add3A_11, %dma_start3A] : memref<5120x128xf32, #tpu.memory_space<vmem_shared>> -> memref<40x128xf32, #tpu.memory_space<vmem_shared>>
      %dma_start3A_75 = arith.constant 0 : i32
      %dma_start3A_76 = tpu.memref_slice %arg8[%add3A_11, %dma_start3A_75] : memref<5120x128xf32, #tpu.memory_space<vmem_shared>> -> memref<40x128xf32, #tpu.memory_space<vmem_shared>>
      tpu.enqueue_dma source(%arg12 : memref<40x128xf32, #tpu.memory_space<vmem>>) target(%dma_start3A_76 : memref<40x128xf32, #tpu.memory_space<vmem_shared>>) target_semaphore(%run_scoped3A : memref<!tpu.dma_semaphore, #tpu.memory_space<semaphore_mem>>)
      %dma_wait3A = arith.constant 0 : i32
      %dma_wait3A_77 = tpu.memref_slice %arg8[%add3A_11, %dma_wait3A] : memref<5120x128xf32, #tpu.memory_space<vmem_shared>> -> memref<40x128xf32, #tpu.memory_space<vmem_shared>>
      %dma_wait3A_78 = arith.constant 0 : i32
      %dma_wait3A_79 = tpu.memref_slice %arg8[%add3A_11, %dma_wait3A_78] : memref<5120x128xf32, #tpu.memory_space<vmem_shared>> -> memref<40x128xf32, #tpu.memory_space<vmem_shared>>
      tpu.wait_dma2 semaphore(%run_scoped3A : memref<!tpu.dma_semaphore, #tpu.memory_space<semaphore_mem>>) src(%arg12 : memref<40x128xf32, #tpu.memory_space<vmem>>) dst(%dma_wait3A_79 : memref<40x128xf32, #tpu.memory_space<vmem_shared>>)
      tpu.yield
    }) : () -> ()
    "tpu.region"() ({
      %run_scoped3A = tpu.sem_alloc : memref<!tpu.dma_semaphore, #tpu.memory_space<semaphore_mem>>
      %dma_start3A = arith.constant 0 : i32
      %dma_start3A_74 = tpu.memref_slice %arg9[%add3A_11, %dma_start3A] : memref<5120x16xf32, #tpu.memory_space<vmem_shared>> -> memref<40x16xf32, #tpu.memory_space<vmem_shared>>
      %dma_start3A_75 = arith.constant 0 : i32
      %dma_start3A_76 = tpu.memref_slice %arg9[%add3A_11, %dma_start3A_75] : memref<5120x16xf32, #tpu.memory_space<vmem_shared>> -> memref<40x16xf32, #tpu.memory_space<vmem_shared>>
      tpu.enqueue_dma source(%arg14 : memref<40x16xf32, #tpu.memory_space<vmem>>) target(%dma_start3A_76 : memref<40x16xf32, #tpu.memory_space<vmem_shared>>) target_semaphore(%run_scoped3A : memref<!tpu.dma_semaphore, #tpu.memory_space<semaphore_mem>>)
      %dma_wait3A = arith.constant 0 : i32
      %dma_wait3A_77 = tpu.memref_slice %arg9[%add3A_11, %dma_wait3A] : memref<5120x16xf32, #tpu.memory_space<vmem_shared>> -> memref<40x16xf32, #tpu.memory_space<vmem_shared>>
      %dma_wait3A_78 = arith.constant 0 : i32
      %dma_wait3A_79 = tpu.memref_slice %arg9[%add3A_11, %dma_wait3A_78] : memref<5120x16xf32, #tpu.memory_space<vmem_shared>> -> memref<40x16xf32, #tpu.memory_space<vmem_shared>>
      tpu.wait_dma2 semaphore(%run_scoped3A : memref<!tpu.dma_semaphore, #tpu.memory_space<semaphore_mem>>) src(%arg14 : memref<40x16xf32, #tpu.memory_space<vmem>>) dst(%dma_wait3A_79 : memref<40x16xf32, #tpu.memory_space<vmem_shared>>)
      tpu.yield
    }) : () -> ()
    %add3A_12 = arith.constant 80 : i32
    %add3A_13 = arith.addi %mul3A_2, %add3A_12 : i32
    "tpu.region"() ({
      %run_scoped3A = tpu.sem_alloc : memref<!tpu.dma_semaphore, #tpu.memory_space<semaphore_mem>>
      %dma_start3A = arith.constant 0 : i32
      %dma_start3A_74 = tpu.memref_slice %arg8[%add3A_13, %dma_start3A] : memref<5120x128xf32, #tpu.memory_space<vmem_shared>> -> memref<40x128xf32, #tpu.memory_space<vmem_shared>>
      %dma_start3A_75 = arith.constant 0 : i32
      %dma_start3A_76 = tpu.memref_slice %arg8[%add3A_13, %dma_start3A_75] : memref<5120x128xf32, #tpu.memory_space<vmem_shared>> -> memref<40x128xf32, #tpu.memory_space<vmem_shared>>
      tpu.enqueue_dma source(%arg12 : memref<40x128xf32, #tpu.memory_space<vmem>>) target(%dma_start3A_76 : memref<40x128xf32, #tpu.memory_space<vmem_shared>>) target_semaphore(%run_scoped3A : memref<!tpu.dma_semaphore, #tpu.memory_space<semaphore_mem>>)
      %dma_wait3A = arith.constant 0 : i32
      %dma_wait3A_77 = tpu.memref_slice %arg8[%add3A_13, %dma_wait3A] : memref<5120x128xf32, #tpu.memory_space<vmem_shared>> -> memref<40x128xf32, #tpu.memory_space<vmem_shared>>
      %dma_wait3A_78 = arith.constant 0 : i32
      %dma_wait3A_79 = tpu.memref_slice %arg8[%add3A_13, %dma_wait3A_78] : memref<5120x128xf32, #tpu.memory_space<vmem_shared>> -> memref<40x128xf32, #tpu.memory_space<vmem_shared>>
      tpu.wait_dma2 semaphore(%run_scoped3A : memref<!tpu.dma_semaphore, #tpu.memory_space<semaphore_mem>>) src(%arg12 : memref<40x128xf32, #tpu.memory_space<vmem>>) dst(%dma_wait3A_79 : memref<40x128xf32, #tpu.memory_space<vmem_shared>>)
      tpu.yield
    }) : () -> ()
    "tpu.region"() ({
      %run_scoped3A = tpu.sem_alloc : memref<!tpu.dma_semaphore, #tpu.memory_space<semaphore_mem>>
      %dma_start3A = arith.constant 0 : i32
      %dma_start3A_74 = tpu.memref_slice %arg9[%add3A_13, %dma_start3A] : memref<5120x16xf32, #tpu.memory_space<vmem_shared>> -> memref<40x16xf32, #tpu.memory_space<vmem_shared>>
      %dma_start3A_75 = arith.constant 0 : i32
      %dma_start3A_76 = tpu.memref_slice %arg9[%add3A_13, %dma_start3A_75] : memref<5120x16xf32, #tpu.memory_space<vmem_shared>> -> memref<40x16xf32, #tpu.memory_space<vmem_shared>>
      tpu.enqueue_dma source(%arg14 : memref<40x16xf32, #tpu.memory_space<vmem>>) target(%dma_start3A_76 : memref<40x16xf32, #tpu.memory_space<vmem_shared>>) target_semaphore(%run_scoped3A : memref<!tpu.dma_semaphore, #tpu.memory_space<semaphore_mem>>)
      %dma_wait3A = arith.constant 0 : i32
      %dma_wait3A_77 = tpu.memref_slice %arg9[%add3A_13, %dma_wait3A] : memref<5120x16xf32, #tpu.memory_space<vmem_shared>> -> memref<40x16xf32, #tpu.memory_space<vmem_shared>>
      %dma_wait3A_78 = arith.constant 0 : i32
      %dma_wait3A_79 = tpu.memref_slice %arg9[%add3A_13, %dma_wait3A_78] : memref<5120x16xf32, #tpu.memory_space<vmem_shared>> -> memref<40x16xf32, #tpu.memory_space<vmem_shared>>
      tpu.wait_dma2 semaphore(%run_scoped3A : memref<!tpu.dma_semaphore, #tpu.memory_space<semaphore_mem>>) src(%arg14 : memref<40x16xf32, #tpu.memory_space<vmem>>) dst(%dma_wait3A_79 : memref<40x16xf32, #tpu.memory_space<vmem_shared>>)
      tpu.yield
    }) : () -> ()
    %add3A_14 = arith.constant 120 : i32
    %add3A_15 = arith.addi %mul3A_2, %add3A_14 : i32
    "tpu.region"() ({
      %run_scoped3A = tpu.sem_alloc : memref<!tpu.dma_semaphore, #tpu.memory_space<semaphore_mem>>
      %dma_start3A = arith.constant 0 : i32
      %dma_start3A_74 = tpu.memref_slice %arg8[%add3A_15, %dma_start3A] : memref<5120x128xf32, #tpu.memory_space<vmem_shared>> -> memref<40x128xf32, #tpu.memory_space<vmem_shared>>
      %dma_start3A_75 = arith.constant 0 : i32
      %dma_start3A_76 = tpu.memref_slice %arg8[%add3A_15, %dma_start3A_75] : memref<5120x128xf32, #tpu.memory_space<vmem_shared>> -> memref<40x128xf32, #tpu.memory_space<vmem_shared>>
      tpu.enqueue_dma source(%arg12 : memref<40x128xf32, #tpu.memory_space<vmem>>) target(%dma_start3A_76 : memref<40x128xf32, #tpu.memory_space<vmem_shared>>) target_semaphore(%run_scoped3A : memref<!tpu.dma_semaphore, #tpu.memory_space<semaphore_mem>>)
      %dma_wait3A = arith.constant 0 : i32
      %dma_wait3A_77 = tpu.memref_slice %arg8[%add3A_15, %dma_wait3A] : memref<5120x128xf32, #tpu.memory_space<vmem_shared>> -> memref<40x128xf32, #tpu.memory_space<vmem_shared>>
      %dma_wait3A_78 = arith.constant 0 : i32
      %dma_wait3A_79 = tpu.memref_slice %arg8[%add3A_15, %dma_wait3A_78] : memref<5120x128xf32, #tpu.memory_space<vmem_shared>> -> memref<40x128xf32, #tpu.memory_space<vmem_shared>>
      tpu.wait_dma2 semaphore(%run_scoped3A : memref<!tpu.dma_semaphore, #tpu.memory_space<semaphore_mem>>) src(%arg12 : memref<40x128xf32, #tpu.memory_space<vmem>>) dst(%dma_wait3A_79 : memref<40x128xf32, #tpu.memory_space<vmem_shared>>)
      tpu.yield
    }) : () -> ()
    "tpu.region"() ({
      %run_scoped3A = tpu.sem_alloc : memref<!tpu.dma_semaphore, #tpu.memory_space<semaphore_mem>>
      %dma_start3A = arith.constant 0 : i32
      %dma_start3A_74 = tpu.memref_slice %arg9[%add3A_15, %dma_start3A] : memref<5120x16xf32, #tpu.memory_space<vmem_shared>> -> memref<40x16xf32, #tpu.memory_space<vmem_shared>>
      %dma_start3A_75 = arith.constant 0 : i32
      %dma_start3A_76 = tpu.memref_slice %arg9[%add3A_15, %dma_start3A_75] : memref<5120x16xf32, #tpu.memory_space<vmem_shared>> -> memref<40x16xf32, #tpu.memory_space<vmem_shared>>
      tpu.enqueue_dma source(%arg14 : memref<40x16xf32, #tpu.memory_space<vmem>>) target(%dma_start3A_76 : memref<40x16xf32, #tpu.memory_space<vmem_shared>>) target_semaphore(%run_scoped3A : memref<!tpu.dma_semaphore, #tpu.memory_space<semaphore_mem>>)
      %dma_wait3A = arith.constant 0 : i32
      %dma_wait3A_77 = tpu.memref_slice %arg9[%add3A_15, %dma_wait3A] : memref<5120x16xf32, #tpu.memory_space<vmem_shared>> -> memref<40x16xf32, #tpu.memory_space<vmem_shared>>
      %dma_wait3A_78 = arith.constant 0 : i32
      %dma_wait3A_79 = tpu.memref_slice %arg9[%add3A_15, %dma_wait3A_78] : memref<5120x16xf32, #tpu.memory_space<vmem_shared>> -> memref<40x16xf32, #tpu.memory_space<vmem_shared>>
      tpu.wait_dma2 semaphore(%run_scoped3A : memref<!tpu.dma_semaphore, #tpu.memory_space<semaphore_mem>>) src(%arg14 : memref<40x16xf32, #tpu.memory_space<vmem>>) dst(%dma_wait3A_79 : memref<40x16xf32, #tpu.memory_space<vmem_shared>>)
      tpu.yield
    }) : () -> ()
    %add3A_16 = arith.constant 160 : i32
    %add3A_17 = arith.addi %mul3A_2, %add3A_16 : i32
    "tpu.region"() ({
      %run_scoped3A = tpu.sem_alloc : memref<!tpu.dma_semaphore, #tpu.memory_space<semaphore_mem>>
      %dma_start3A = arith.constant 0 : i32
      %dma_start3A_74 = tpu.memref_slice %arg8[%add3A_17, %dma_start3A] : memref<5120x128xf32, #tpu.memory_space<vmem_shared>> -> memref<40x128xf32, #tpu.memory_space<vmem_shared>>
      %dma_start3A_75 = arith.constant 0 : i32
      %dma_start3A_76 = tpu.memref_slice %arg8[%add3A_17, %dma_start3A_75] : memref<5120x128xf32, #tpu.memory_space<vmem_shared>> -> memref<40x128xf32, #tpu.memory_space<vmem_shared>>
      tpu.enqueue_dma source(%arg12 : memref<40x128xf32, #tpu.memory_space<vmem>>) target(%dma_start3A_76 : memref<40x128xf32, #tpu.memory_space<vmem_shared>>) target_semaphore(%run_scoped3A : memref<!tpu.dma_semaphore, #tpu.memory_space<semaphore_mem>>)
      %dma_wait3A = arith.constant 0 : i32
      %dma_wait3A_77 = tpu.memref_slice %arg8[%add3A_17, %dma_wait3A] : memref<5120x128xf32, #tpu.memory_space<vmem_shared>> -> memref<40x128xf32, #tpu.memory_space<vmem_shared>>
      %dma_wait3A_78 = arith.constant 0 : i32
      %dma_wait3A_79 = tpu.memref_slice %arg8[%add3A_17, %dma_wait3A_78] : memref<5120x128xf32, #tpu.memory_space<vmem_shared>> -> memref<40x128xf32, #tpu.memory_space<vmem_shared>>
      tpu.wait_dma2 semaphore(%run_scoped3A : memref<!tpu.dma_semaphore, #tpu.memory_space<semaphore_mem>>) src(%arg12 : memref<40x128xf32, #tpu.memory_space<vmem>>) dst(%dma_wait3A_79 : memref<40x128xf32, #tpu.memory_space<vmem_shared>>)
      tpu.yield
    }) : () -> ()
    "tpu.region"() ({
      %run_scoped3A = tpu.sem_alloc : memref<!tpu.dma_semaphore, #tpu.memory_space<semaphore_mem>>
      %dma_start3A = arith.constant 0 : i32
      %dma_start3A_74 = tpu.memref_slice %arg9[%add3A_17, %dma_start3A] : memref<5120x16xf32, #tpu.memory_space<vmem_shared>> -> memref<40x16xf32, #tpu.memory_space<vmem_shared>>
      %dma_start3A_75 = arith.constant 0 : i32
      %dma_start3A_76 = tpu.memref_slice %arg9[%add3A_17, %dma_start3A_75] : memref<5120x16xf32, #tpu.memory_space<vmem_shared>> -> memref<40x16xf32, #tpu.memory_space<vmem_shared>>
      tpu.enqueue_dma source(%arg14 : memref<40x16xf32, #tpu.memory_space<vmem>>) target(%dma_start3A_76 : memref<40x16xf32, #tpu.memory_space<vmem_shared>>) target_semaphore(%run_scoped3A : memref<!tpu.dma_semaphore, #tpu.memory_space<semaphore_mem>>)
      %dma_wait3A = arith.constant 0 : i32
      %dma_wait3A_77 = tpu.memref_slice %arg9[%add3A_17, %dma_wait3A] : memref<5120x16xf32, #tpu.memory_space<vmem_shared>> -> memref<40x16xf32, #tpu.memory_space<vmem_shared>>
      %dma_wait3A_78 = arith.constant 0 : i32
      %dma_wait3A_79 = tpu.memref_slice %arg9[%add3A_17, %dma_wait3A_78] : memref<5120x16xf32, #tpu.memory_space<vmem_shared>> -> memref<40x16xf32, #tpu.memory_space<vmem_shared>>
      tpu.wait_dma2 semaphore(%run_scoped3A : memref<!tpu.dma_semaphore, #tpu.memory_space<semaphore_mem>>) src(%arg14 : memref<40x16xf32, #tpu.memory_space<vmem>>) dst(%dma_wait3A_79 : memref<40x16xf32, #tpu.memory_space<vmem_shared>>)
      tpu.yield
    }) : () -> ()
    %add3A_18 = arith.constant 200 : i32
    %add3A_19 = arith.addi %mul3A_2, %add3A_18 : i32
    "tpu.region"() ({
      %run_scoped3A = tpu.sem_alloc : memref<!tpu.dma_semaphore, #tpu.memory_space<semaphore_mem>>
      %dma_start3A = arith.constant 0 : i32
      %dma_start3A_74 = tpu.memref_slice %arg8[%add3A_19, %dma_start3A] : memref<5120x128xf32, #tpu.memory_space<vmem_shared>> -> memref<40x128xf32, #tpu.memory_space<vmem_shared>>
      %dma_start3A_75 = arith.constant 0 : i32
      %dma_start3A_76 = tpu.memref_slice %arg8[%add3A_19, %dma_start3A_75] : memref<5120x128xf32, #tpu.memory_space<vmem_shared>> -> memref<40x128xf32, #tpu.memory_space<vmem_shared>>
      tpu.enqueue_dma source(%arg12 : memref<40x128xf32, #tpu.memory_space<vmem>>) target(%dma_start3A_76 : memref<40x128xf32, #tpu.memory_space<vmem_shared>>) target_semaphore(%run_scoped3A : memref<!tpu.dma_semaphore, #tpu.memory_space<semaphore_mem>>)
      %dma_wait3A = arith.constant 0 : i32
      %dma_wait3A_77 = tpu.memref_slice %arg8[%add3A_19, %dma_wait3A] : memref<5120x128xf32, #tpu.memory_space<vmem_shared>> -> memref<40x128xf32, #tpu.memory_space<vmem_shared>>
      %dma_wait3A_78 = arith.constant 0 : i32
      %dma_wait3A_79 = tpu.memref_slice %arg8[%add3A_19, %dma_wait3A_78] : memref<5120x128xf32, #tpu.memory_space<vmem_shared>> -> memref<40x128xf32, #tpu.memory_space<vmem_shared>>
      tpu.wait_dma2 semaphore(%run_scoped3A : memref<!tpu.dma_semaphore, #tpu.memory_space<semaphore_mem>>) src(%arg12 : memref<40x128xf32, #tpu.memory_space<vmem>>) dst(%dma_wait3A_79 : memref<40x128xf32, #tpu.memory_space<vmem_shared>>)
      tpu.yield
    }) : () -> ()
    "tpu.region"() ({
      %run_scoped3A = tpu.sem_alloc : memref<!tpu.dma_semaphore, #tpu.memory_space<semaphore_mem>>
      %dma_start3A = arith.constant 0 : i32
      %dma_start3A_74 = tpu.memref_slice %arg9[%add3A_19, %dma_start3A] : memref<5120x16xf32, #tpu.memory_space<vmem_shared>> -> memref<40x16xf32, #tpu.memory_space<vmem_shared>>
      %dma_start3A_75 = arith.constant 0 : i32
      %dma_start3A_76 = tpu.memref_slice %arg9[%add3A_19, %dma_start3A_75] : memref<5120x16xf32, #tpu.memory_space<vmem_shared>> -> memref<40x16xf32, #tpu.memory_space<vmem_shared>>
      tpu.enqueue_dma source(%arg14 : memref<40x16xf32, #tpu.memory_space<vmem>>) target(%dma_start3A_76 : memref<40x16xf32, #tpu.memory_space<vmem_shared>>) target_semaphore(%run_scoped3A : memref<!tpu.dma_semaphore, #tpu.memory_space<semaphore_mem>>)
      %dma_wait3A = arith.constant 0 : i32
      %dma_wait3A_77 = tpu.memref_slice %arg9[%add3A_19, %dma_wait3A] : memref<5120x16xf32, #tpu.memory_space<vmem_shared>> -> memref<40x16xf32, #tpu.memory_space<vmem_shared>>
      %dma_wait3A_78 = arith.constant 0 : i32
      %dma_wait3A_79 = tpu.memref_slice %arg9[%add3A_19, %dma_wait3A_78] : memref<5120x16xf32, #tpu.memory_space<vmem_shared>> -> memref<40x16xf32, #tpu.memory_space<vmem_shared>>
      tpu.wait_dma2 semaphore(%run_scoped3A : memref<!tpu.dma_semaphore, #tpu.memory_space<semaphore_mem>>) src(%arg14 : memref<40x16xf32, #tpu.memory_space<vmem>>) dst(%dma_wait3A_79 : memref<40x16xf32, #tpu.memory_space<vmem_shared>>)
      tpu.yield
    }) : () -> ()
    %add3A_20 = arith.constant 240 : i32
    %add3A_21 = arith.addi %mul3A_2, %add3A_20 : i32
    "tpu.region"() ({
      %run_scoped3A = tpu.sem_alloc : memref<!tpu.dma_semaphore, #tpu.memory_space<semaphore_mem>>
      %dma_start3A = arith.constant 0 : i32
      %dma_start3A_74 = tpu.memref_slice %arg8[%add3A_21, %dma_start3A] : memref<5120x128xf32, #tpu.memory_space<vmem_shared>> -> memref<40x128xf32, #tpu.memory_space<vmem_shared>>
      %dma_start3A_75 = arith.constant 0 : i32
      %dma_start3A_76 = tpu.memref_slice %arg8[%add3A_21, %dma_start3A_75] : memref<5120x128xf32, #tpu.memory_space<vmem_shared>> -> memref<40x128xf32, #tpu.memory_space<vmem_shared>>
      tpu.enqueue_dma source(%arg12 : memref<40x128xf32, #tpu.memory_space<vmem>>) target(%dma_start3A_76 : memref<40x128xf32, #tpu.memory_space<vmem_shared>>) target_semaphore(%run_scoped3A : memref<!tpu.dma_semaphore, #tpu.memory_space<semaphore_mem>>)
      %dma_wait3A = arith.constant 0 : i32
      %dma_wait3A_77 = tpu.memref_slice %arg8[%add3A_21, %dma_wait3A] : memref<5120x128xf32, #tpu.memory_space<vmem_shared>> -> memref<40x128xf32, #tpu.memory_space<vmem_shared>>
      %dma_wait3A_78 = arith.constant 0 : i32
      %dma_wait3A_79 = tpu.memref_slice %arg8[%add3A_21, %dma_wait3A_78] : memref<5120x128xf32, #tpu.memory_space<vmem_shared>> -> memref<40x128xf32, #tpu.memory_space<vmem_shared>>
      tpu.wait_dma2 semaphore(%run_scoped3A : memref<!tpu.dma_semaphore, #tpu.memory_space<semaphore_mem>>) src(%arg12 : memref<40x128xf32, #tpu.memory_space<vmem>>) dst(%dma_wait3A_79 : memref<40x128xf32, #tpu.memory_space<vmem_shared>>)
      tpu.yield
    }) : () -> ()
    "tpu.region"() ({
      %run_scoped3A = tpu.sem_alloc : memref<!tpu.dma_semaphore, #tpu.memory_space<semaphore_mem>>
      %dma_start3A = arith.constant 0 : i32
      %dma_start3A_74 = tpu.memref_slice %arg9[%add3A_21, %dma_start3A] : memref<5120x16xf32, #tpu.memory_space<vmem_shared>> -> memref<40x16xf32, #tpu.memory_space<vmem_shared>>
      %dma_start3A_75 = arith.constant 0 : i32
      %dma_start3A_76 = tpu.memref_slice %arg9[%add3A_21, %dma_start3A_75] : memref<5120x16xf32, #tpu.memory_space<vmem_shared>> -> memref<40x16xf32, #tpu.memory_space<vmem_shared>>
      tpu.enqueue_dma source(%arg14 : memref<40x16xf32, #tpu.memory_space<vmem>>) target(%dma_start3A_76 : memref<40x16xf32, #tpu.memory_space<vmem_shared>>) target_semaphore(%run_scoped3A : memref<!tpu.dma_semaphore, #tpu.memory_space<semaphore_mem>>)
      %dma_wait3A = arith.constant 0 : i32
      %dma_wait3A_77 = tpu.memref_slice %arg9[%add3A_21, %dma_wait3A] : memref<5120x16xf32, #tpu.memory_space<vmem_shared>> -> memref<40x16xf32, #tpu.memory_space<vmem_shared>>
      %dma_wait3A_78 = arith.constant 0 : i32
      %dma_wait3A_79 = tpu.memref_slice %arg9[%add3A_21, %dma_wait3A_78] : memref<5120x16xf32, #tpu.memory_space<vmem_shared>> -> memref<40x16xf32, #tpu.memory_space<vmem_shared>>
      tpu.wait_dma2 semaphore(%run_scoped3A : memref<!tpu.dma_semaphore, #tpu.memory_space<semaphore_mem>>) src(%arg14 : memref<40x16xf32, #tpu.memory_space<vmem>>) dst(%dma_wait3A_79 : memref<40x16xf32, #tpu.memory_space<vmem_shared>>)
      tpu.yield
    }) : () -> ()
    %add3A_22 = arith.constant 280 : i32
    %add3A_23 = arith.addi %mul3A_2, %add3A_22 : i32
    "tpu.region"() ({
      %run_scoped3A = tpu.sem_alloc : memref<!tpu.dma_semaphore, #tpu.memory_space<semaphore_mem>>
      %dma_start3A = arith.constant 0 : i32
      %dma_start3A_74 = tpu.memref_slice %arg8[%add3A_23, %dma_start3A] : memref<5120x128xf32, #tpu.memory_space<vmem_shared>> -> memref<40x128xf32, #tpu.memory_space<vmem_shared>>
      %dma_start3A_75 = arith.constant 0 : i32
      %dma_start3A_76 = tpu.memref_slice %arg8[%add3A_23, %dma_start3A_75] : memref<5120x128xf32, #tpu.memory_space<vmem_shared>> -> memref<40x128xf32, #tpu.memory_space<vmem_shared>>
      tpu.enqueue_dma source(%arg12 : memref<40x128xf32, #tpu.memory_space<vmem>>) target(%dma_start3A_76 : memref<40x128xf32, #tpu.memory_space<vmem_shared>>) target_semaphore(%run_scoped3A : memref<!tpu.dma_semaphore, #tpu.memory_space<semaphore_mem>>)
      %dma_wait3A = arith.constant 0 : i32
      %dma_wait3A_77 = tpu.memref_slice %arg8[%add3A_23, %dma_wait3A] : memref<5120x128xf32, #tpu.memory_space<vmem_shared>> -> memref<40x128xf32, #tpu.memory_space<vmem_shared>>
      %dma_wait3A_78 = arith.constant 0 : i32
      %dma_wait3A_79 = tpu.memref_slice %arg8[%add3A_23, %dma_wait3A_78] : memref<5120x128xf32, #tpu.memory_space<vmem_shared>> -> memref<40x128xf32, #tpu.memory_space<vmem_shared>>
      tpu.wait_dma2 semaphore(%run_scoped3A : memref<!tpu.dma_semaphore, #tpu.memory_space<semaphore_mem>>) src(%arg12 : memref<40x128xf32, #tpu.memory_space<vmem>>) dst(%dma_wait3A_79 : memref<40x128xf32, #tpu.memory_space<vmem_shared>>)
      tpu.yield
    }) : () -> ()
    "tpu.region"() ({
      %run_scoped3A = tpu.sem_alloc : memref<!tpu.dma_semaphore, #tpu.memory_space<semaphore_mem>>
      %dma_start3A = arith.constant 0 : i32
      %dma_start3A_74 = tpu.memref_slice %arg9[%add3A_23, %dma_start3A] : memref<5120x16xf32, #tpu.memory_space<vmem_shared>> -> memref<40x16xf32, #tpu.memory_space<vmem_shared>>
      %dma_start3A_75 = arith.constant 0 : i32
      %dma_start3A_76 = tpu.memref_slice %arg9[%add3A_23, %dma_start3A_75] : memref<5120x16xf32, #tpu.memory_space<vmem_shared>> -> memref<40x16xf32, #tpu.memory_space<vmem_shared>>
      tpu.enqueue_dma source(%arg14 : memref<40x16xf32, #tpu.memory_space<vmem>>) target(%dma_start3A_76 : memref<40x16xf32, #tpu.memory_space<vmem_shared>>) target_semaphore(%run_scoped3A : memref<!tpu.dma_semaphore, #tpu.memory_space<semaphore_mem>>)
      %dma_wait3A = arith.constant 0 : i32
      %dma_wait3A_77 = tpu.memref_slice %arg9[%add3A_23, %dma_wait3A] : memref<5120x16xf32, #tpu.memory_space<vmem_shared>> -> memref<40x16xf32, #tpu.memory_space<vmem_shared>>
      %dma_wait3A_78 = arith.constant 0 : i32
      %dma_wait3A_79 = tpu.memref_slice %arg9[%add3A_23, %dma_wait3A_78] : memref<5120x16xf32, #tpu.memory_space<vmem_shared>> -> memref<40x16xf32, #tpu.memory_space<vmem_shared>>
      tpu.wait_dma2 semaphore(%run_scoped3A : memref<!tpu.dma_semaphore, #tpu.memory_space<semaphore_mem>>) src(%arg14 : memref<40x16xf32, #tpu.memory_space<vmem>>) dst(%dma_wait3A_79 : memref<40x16xf32, #tpu.memory_space<vmem_shared>>)
      tpu.yield
    }) : () -> ()
    %scan3A_24 = arith.constant 0 : i32
    %scan3A_25 = arith.constant 0 : i32
    %scan3A_26 = arith.constant 40 : i32
    %scan3A_27 = arith.addi %scan3A_25, %scan3A_26 : i32
    %scan3A_28 = arith.constant 1 : i32
    scf.for %scan3A_74 = %scan3A_25 to %scan3A_27 step %scan3A_28  : i32 {
      %broadcast_in_dim3A = arith.constant 1.000000e+00 : f32
      %broadcast_in_dim3A_75 = vector.broadcast %broadcast_in_dim3A : f32 to vector<16xf32>
      %swap3A = arith.index_cast %scan3A_74 : i32 to index
      %swap3A_76 = arith.constant 0 : index
      %swap3A_77 = tpu.vector_load %arg14[%swap3A, %swap3A_76] {strides = array<i32>} : memref<40x16xf32, #tpu.memory_space<vmem>>, vector<1x16xf32>,
      %swap3A_78 = vector.shape_cast %swap3A_77 : vector<1x16xf32> to vector<16xf32>
      %swap3A_79 = vector.shape_cast %broadcast_in_dim3A_75 : vector<16xf32> to vector<1x16xf32>
      tpu.vector_store %arg14[%swap3A, %swap3A_76], %swap3A_79 {strides = array<i32>} : memref<40x16xf32, #tpu.memory_space<vmem>>, vector<1x16xf32>,
    }
    %scan3A_29 = arith.constant 40 : i32
    %barrier3A = arith.constant 0 : index
    tpu.barrier barrier_id(%barrier3A)
    %mul3A_30 = arith.constant 10000 : i32
    %mul3A_31 = arith.muli %add3A, %mul3A_30 : i32
    %scan3A_32 = arith.constant 0 : i32
    %scan3A_33 = arith.constant 0 : i32
    %scan3A_34 = arith.constant 250 : i32
    %scan3A_35 = arith.addi %scan3A_33, %scan3A_34 : i32
    %scan3A_36 = arith.constant 1 : i32
    scf.for %scan3A_74 = %scan3A_33 to %scan3A_35 step %scan3A_36  : i32 {
      %mul3A_75 = arith.constant 40 : i32
      %mul3A_76 = arith.muli %scan3A_74, %mul3A_75 : i32
      %add3A_77 = arith.addi %mul3A_31, %mul3A_76 : i32
      "tpu.region"() ({
        %run_scoped3A = tpu.sem_alloc : memref<!tpu.dma_semaphore, #tpu.memory_space<semaphore_mem>>
        %dma_start3A_88 = tpu.memref_slice %arg4[%add3A_77] : memref<320000xi32, #tpu.memory_space<hbm>> -> memref<40xi32, #tpu.memory_space<hbm>>
        %dma_start3A_89 = tpu.memref_slice %arg4[%add3A_77] : memref<320000xi32, #tpu.memory_space<hbm>> -> memref<40xi32, #tpu.memory_space<hbm>>
        tpu.enqueue_dma source(%dma_start3A_89 : memref<40xi32, #tpu.memory_space<hbm>>) target(%arg10 : memref<40xi32, #tpu.memory_space<vmem>>) target_semaphore(%run_scoped3A : memref<!tpu.dma_semaphore, #tpu.memory_space<semaphore_mem>>)
        %dma_wait3A_90 = tpu.memref_slice %arg4[%add3A_77] : memref<320000xi32, #tpu.memory_space<hbm>> -> memref<40xi32, #tpu.memory_space<hbm>>
        %dma_wait3A_91 = tpu.memref_slice %arg4[%add3A_77] : memref<320000xi32, #tpu.memory_space<hbm>> -> memref<40xi32, #tpu.memory_space<hbm>>
        tpu.wait_dma2 semaphore(%run_scoped3A : memref<!tpu.dma_semaphore, #tpu.memory_space<semaphore_mem>>) src(%dma_wait3A_91 : memref<40xi32, #tpu.memory_space<hbm>>) dst(%arg10 : memref<40xi32, #tpu.memory_space<vmem>>)
        tpu.yield
      }) : () -> ()
      "tpu.region"() ({
        %run_scoped3A = tpu.sem_alloc : memref<!tpu.dma_semaphore, #tpu.memory_space<semaphore_mem>>
        %dma_start3A_88 = tpu.memref_slice %arg5[%add3A_77] : memref<320000xi32, #tpu.memory_space<hbm>> -> memref<40xi32, #tpu.memory_space<hbm>>
        %dma_start3A_89 = tpu.memref_slice %arg5[%add3A_77] : memref<320000xi32, #tpu.memory_space<hbm>> -> memref<40xi32, #tpu.memory_space<hbm>>
        tpu.enqueue_dma source(%dma_start3A_89 : memref<40xi32, #tpu.memory_space<hbm>>) target(%arg11 : memref<40xi32, #tpu.memory_space<vmem>>) target_semaphore(%run_scoped3A : memref<!tpu.dma_semaphore, #tpu.memory_space<semaphore_mem>>)
        %dma_wait3A_90 = tpu.memref_slice %arg5[%add3A_77] : memref<320000xi32, #tpu.memory_space<hbm>> -> memref<40xi32, #tpu.memory_space<hbm>>
        %dma_wait3A_91 = tpu.memref_slice %arg5[%add3A_77] : memref<320000xi32, #tpu.memory_space<hbm>> -> memref<40xi32, #tpu.memory_space<hbm>>
        tpu.wait_dma2 semaphore(%run_scoped3A : memref<!tpu.dma_semaphore, #tpu.memory_space<semaphore_mem>>) src(%dma_wait3A_91 : memref<40xi32, #tpu.memory_space<hbm>>) dst(%arg11 : memref<40xi32, #tpu.memory_space<vmem>>)
        tpu.yield
      }) : () -> ()
      %dma_start3A = arith.constant 0 : i32
      %dma_start3A_78 = arith.constant 0 : i32
      %dma_start3A_79 = tpu.memref_slice %arg2[%dma_start3A, %dma_start3A_78] : memref<10000x128xf32, #tpu.memory_space<hbm>> -> memref<10000x128xf32, #tpu.memory_space<hbm>>
      tpu.enqueue_indirect_dma source(%dma_start3A_79 : memref<10000x128xf32, #tpu.memory_space<hbm>>) target(%arg12 : memref<40x128xf32, #tpu.memory_space<vmem>>) offsets(%arg10 : memref<40xi32, #tpu.memory_space<vmem>>) semaphore(%arg15 : memref<!tpu.dma_semaphore, #tpu.memory_space<semaphore_mem>>)
      %dma_wait3A = arith.constant 0 : i32
      %dma_wait3A_80 = arith.constant 0 : i32
      %dma_wait3A_81 = tpu.memref_slice %arg2[%dma_wait3A, %dma_wait3A_80] : memref<10000x128xf32, #tpu.memory_space<hbm>> -> memref<10000x128xf32, #tpu.memory_space<hbm>>
      tpu.wait_indirect_dma semaphore(%arg15 : memref<!tpu.dma_semaphore, #tpu.memory_space<semaphore_mem>>) src(%dma_wait3A_81 : memref<10000x128xf32, #tpu.memory_space<hbm>>) dst(%arg12 : memref<40x128xf32, #tpu.memory_space<vmem>>)
      "tpu.region"() ({
        %run_scoped3A = tpu.sem_alloc : memref<!tpu.dma_semaphore, #tpu.memory_space<semaphore_mem>>
        %dma_start3A_88 = arith.constant 0 : i32
        %dma_start3A_89 = tpu.memref_slice %arg3[%add3A_77, %dma_start3A_88] : memref<320000x128xf32, #tpu.memory_space<hbm>> -> memref<40x128xf32, #tpu.memory_space<hbm>>
        %dma_start3A_90 = arith.constant 0 : i32
        %dma_start3A_91 = tpu.memref_slice %arg3[%add3A_77, %dma_start3A_90] : memref<320000x128xf32, #tpu.memory_space<hbm>> -> memref<40x128xf32, #tpu.memory_space<hbm>>
        tpu.enqueue_dma source(%dma_start3A_91 : memref<40x128xf32, #tpu.memory_space<hbm>>) target(%arg13 : memref<40x128xf32, #tpu.memory_space<vmem>>) target_semaphore(%run_scoped3A : memref<!tpu.dma_semaphore, #tpu.memory_space<semaphore_mem>>)
        %dma_wait3A_92 = arith.constant 0 : i32
        %dma_wait3A_93 = tpu.memref_slice %arg3[%add3A_77, %dma_wait3A_92] : memref<320000x128xf32, #tpu.memory_space<hbm>> -> memref<40x128xf32, #tpu.memory_space<hbm>>
        %dma_wait3A_94 = arith.constant 0 : i32
        %dma_wait3A_95 = tpu.memref_slice %arg3[%add3A_77, %dma_wait3A_94] : memref<320000x128xf32, #tpu.memory_space<hbm>> -> memref<40x128xf32, #tpu.memory_space<hbm>>
        tpu.wait_dma2 semaphore(%run_scoped3A : memref<!tpu.dma_semaphore, #tpu.memory_space<semaphore_mem>>) src(%dma_wait3A_95 : memref<40x128xf32, #tpu.memory_space<hbm>>) dst(%arg13 : memref<40x128xf32, #tpu.memory_space<vmem>>)
        tpu.yield
      }) : () -> ()
      %scan3A_82 = arith.constant 0 : i32
      %scan3A_83 = arith.constant 0 : i32
      %scan3A_84 = arith.constant 40 : i32
      %scan3A_85 = arith.addi %scan3A_83, %scan3A_84 : i32
      %scan3A_86 = arith.constant 1 : i32
      scf.for %scan3A_88 = %scan3A_83 to %scan3A_85 step %scan3A_86  : i32 {
        %get3A = arith.index_cast %scan3A_88 : i32 to index
        %get3A_89 = arith.constant 0 : index
        %get3A_90 = tpu.vector_load %arg13[%get3A, %get3A_89] {strides = array<i32>} : memref<40x128xf32, #tpu.memory_space<vmem>>, vector<1x16xf32>,
        %get3A_91 = vector.shape_cast %get3A_90 : vector<1x16xf32> to vector<16xf32>
        %swap3A = arith.index_cast %scan3A_88 : i32 to index
        %swap3A_92 = arith.constant 0 : index
        %swap3A_93 = tpu.vector_load %arg12[%swap3A, %swap3A_92] {strides = array<i32>} : memref<40x128xf32, #tpu.memory_space<vmem>>, vector<1x16xf32>,
        %swap3A_94 = vector.shape_cast %swap3A_93 : vector<1x16xf32> to vector<16xf32>
        %swap3A_95 = vector.shape_cast %get3A_91 : vector<16xf32> to vector<1x16xf32>
        tpu.vector_store %arg12[%swap3A, %swap3A_92], %swap3A_95 {add = true, strides = array<i32>} : memref<40x128xf32, #tpu.memory_space<vmem>>, vector<1x16xf32>,
        %get3A_96 = arith.index_cast %scan3A_88 : i32 to index
        %get3A_97 = arith.constant 16 : index
        %get3A_98 = tpu.vector_load %arg13[%get3A_96, %get3A_97] {strides = array<i32>} : memref<40x128xf32, #tpu.memory_space<vmem>>, vector<1x16xf32>,
        %get3A_99 = vector.shape_cast %get3A_98 : vector<1x16xf32> to vector<16xf32>
        %swap3A_100 = arith.index_cast %scan3A_88 : i32 to index
        %swap3A_101 = arith.constant 16 : index
        %swap3A_102 = tpu.vector_load %arg12[%swap3A_100, %swap3A_101] {strides = array<i32>} : memref<40x128xf32, #tpu.memory_space<vmem>>, vector<1x16xf32>,
        %swap3A_103 = vector.shape_cast %swap3A_102 : vector<1x16xf32> to vector<16xf32>
        %swap3A_104 = vector.shape_cast %get3A_99 : vector<16xf32> to vector<1x16xf32>
        tpu.vector_store %arg12[%swap3A_100, %swap3A_101], %swap3A_104 {add = true, strides = array<i32>} : memref<40x128xf32, #tpu.memory_space<vmem>>, vector<1x16xf32>,
        %get3A_105 = arith.index_cast %scan3A_88 : i32 to index
        %get3A_106 = arith.constant 32 : index
        %get3A_107 = tpu.vector_load %arg13[%get3A_105, %get3A_106] {strides = array<i32>} : memref<40x128xf32, #tpu.memory_space<vmem>>, vector<1x16xf32>,
        %get3A_108 = vector.shape_cast %get3A_107 : vector<1x16xf32> to vector<16xf32>
        %swap3A_109 = arith.index_cast %scan3A_88 : i32 to index
        %swap3A_110 = arith.constant 32 : index
        %swap3A_111 = tpu.vector_load %arg12[%swap3A_109, %swap3A_110] {strides = array<i32>} : memref<40x128xf32, #tpu.memory_space<vmem>>, vector<1x16xf32>,
        %swap3A_112 = vector.shape_cast %swap3A_111 : vector<1x16xf32> to vector<16xf32>
        %swap3A_113 = vector.shape_cast %get3A_108 : vector<16xf32> to vector<1x16xf32>
        tpu.vector_store %arg12[%swap3A_109, %swap3A_110], %swap3A_113 {add = true, strides = array<i32>} : memref<40x128xf32, #tpu.memory_space<vmem>>, vector<1x16xf32>,
        %get3A_114 = arith.index_cast %scan3A_88 : i32 to index
        %get3A_115 = arith.constant 48 : index
        %get3A_116 = tpu.vector_load %arg13[%get3A_114, %get3A_115] {strides = array<i32>} : memref<40x128xf32, #tpu.memory_space<vmem>>, vector<1x16xf32>,
        %get3A_117 = vector.shape_cast %get3A_116 : vector<1x16xf32> to vector<16xf32>
        %swap3A_118 = arith.index_cast %scan3A_88 : i32 to index
        %swap3A_119 = arith.constant 48 : index
        %swap3A_120 = tpu.vector_load %arg12[%swap3A_118, %swap3A_119] {strides = array<i32>} : memref<40x128xf32, #tpu.memory_space<vmem>>, vector<1x16xf32>,
        %swap3A_121 = vector.shape_cast %swap3A_120 : vector<1x16xf32> to vector<16xf32>
        %swap3A_122 = vector.shape_cast %get3A_117 : vector<16xf32> to vector<1x16xf32>
        tpu.vector_store %arg12[%swap3A_118, %swap3A_119], %swap3A_122 {add = true, strides = array<i32>} : memref<40x128xf32, #tpu.memory_space<vmem>>, vector<1x16xf32>,
        %get3A_123 = arith.index_cast %scan3A_88 : i32 to index
        %get3A_124 = arith.constant 64 : index
        %get3A_125 = tpu.vector_load %arg13[%get3A_123, %get3A_124] {strides = array<i32>} : memref<40x128xf32, #tpu.memory_space<vmem>>, vector<1x16xf32>,
        %get3A_126 = vector.shape_cast %get3A_125 : vector<1x16xf32> to vector<16xf32>
        %swap3A_127 = arith.index_cast %scan3A_88 : i32 to index
        %swap3A_128 = arith.constant 64 : index
        %swap3A_129 = tpu.vector_load %arg12[%swap3A_127, %swap3A_128] {strides = array<i32>} : memref<40x128xf32, #tpu.memory_space<vmem>>, vector<1x16xf32>,
        %swap3A_130 = vector.shape_cast %swap3A_129 : vector<1x16xf32> to vector<16xf32>
        %swap3A_131 = vector.shape_cast %get3A_126 : vector<16xf32> to vector<1x16xf32>
        tpu.vector_store %arg12[%swap3A_127, %swap3A_128], %swap3A_131 {add = true, strides = array<i32>} : memref<40x128xf32, #tpu.memory_space<vmem>>, vector<1x16xf32>,
        %get3A_132 = arith.index_cast %scan3A_88 : i32 to index
        %get3A_133 = arith.constant 80 : index
        %get3A_134 = tpu.vector_load %arg13[%get3A_132, %get3A_133] {strides = array<i32>} : memref<40x128xf32, #tpu.memory_space<vmem>>, vector<1x16xf32>,
        %get3A_135 = vector.shape_cast %get3A_134 : vector<1x16xf32> to vector<16xf32>
        %swap3A_136 = arith.index_cast %scan3A_88 : i32 to index
        %swap3A_137 = arith.constant 80 : index
        %swap3A_138 = tpu.vector_load %arg12[%swap3A_136, %swap3A_137] {strides = array<i32>} : memref<40x128xf32, #tpu.memory_space<vmem>>, vector<1x16xf32>,
        %swap3A_139 = vector.shape_cast %swap3A_138 : vector<1x16xf32> to vector<16xf32>
        %swap3A_140 = vector.shape_cast %get3A_135 : vector<16xf32> to vector<1x16xf32>
        tpu.vector_store %arg12[%swap3A_136, %swap3A_137], %swap3A_140 {add = true, strides = array<i32>} : memref<40x128xf32, #tpu.memory_space<vmem>>, vector<1x16xf32>,
        %get3A_141 = arith.index_cast %scan3A_88 : i32 to index
        %get3A_142 = arith.constant 96 : index
        %get3A_143 = tpu.vector_load %arg13[%get3A_141, %get3A_142] {strides = array<i32>} : memref<40x128xf32, #tpu.memory_space<vmem>>, vector<1x16xf32>,
        %get3A_144 = vector.shape_cast %get3A_143 : vector<1x16xf32> to vector<16xf32>
        %swap3A_145 = arith.index_cast %scan3A_88 : i32 to index
        %swap3A_146 = arith.constant 96 : index
        %swap3A_147 = tpu.vector_load %arg12[%swap3A_145, %swap3A_146] {strides = array<i32>} : memref<40x128xf32, #tpu.memory_space<vmem>>, vector<1x16xf32>,
        %swap3A_148 = vector.shape_cast %swap3A_147 : vector<1x16xf32> to vector<16xf32>
        %swap3A_149 = vector.shape_cast %get3A_144 : vector<16xf32> to vector<1x16xf32>
        tpu.vector_store %arg12[%swap3A_145, %swap3A_146], %swap3A_149 {add = true, strides = array<i32>} : memref<40x128xf32, #tpu.memory_space<vmem>>, vector<1x16xf32>,
        %get3A_150 = arith.index_cast %scan3A_88 : i32 to index
        %get3A_151 = arith.constant 112 : index
        %get3A_152 = tpu.vector_load %arg13[%get3A_150, %get3A_151] {strides = array<i32>} : memref<40x128xf32, #tpu.memory_space<vmem>>, vector<1x16xf32>,
        %get3A_153 = vector.shape_cast %get3A_152 : vector<1x16xf32> to vector<16xf32>
        %swap3A_154 = arith.index_cast %scan3A_88 : i32 to index
        %swap3A_155 = arith.constant 112 : index
        %swap3A_156 = tpu.vector_load %arg12[%swap3A_154, %swap3A_155] {strides = array<i32>} : memref<40x128xf32, #tpu.memory_space<vmem>>, vector<1x16xf32>,
        %swap3A_157 = vector.shape_cast %swap3A_156 : vector<1x16xf32> to vector<16xf32>
        %swap3A_158 = vector.shape_cast %get3A_153 : vector<16xf32> to vector<1x16xf32>
        tpu.vector_store %arg12[%swap3A_154, %swap3A_155], %swap3A_158 {add = true, strides = array<i32>} : memref<40x128xf32, #tpu.memory_space<vmem>>, vector<1x16xf32>,
      }
      %scan3A_87 = arith.constant 40 : i32
      "tpu.region"() ({
        %run_scoped3A = tpu.sem_alloc : memref<!tpu.dma_semaphore, #tpu.memory_space<semaphore_mem>>
        %dma_start3A_88 = arith.constant 0 : i32
        %dma_start3A_89 = arith.constant 0 : i32
        %dma_start3A_90 = tpu.memref_slice %arg8[%dma_start3A_88, %dma_start3A_89] : memref<5120x128xf32, #tpu.memory_space<vmem_shared>> -> memref<5120x128xf32, #tpu.memory_space<vmem_shared>>
        tpu.enqueue_indirect_dma source(%arg12 : memref<40x128xf32, #tpu.memory_space<vmem>>) target(%dma_start3A_90 : memref<5120x128xf32, #tpu.memory_space<vmem_shared>>) offsets(%arg11 : memref<40xi32, #tpu.memory_space<vmem>>) semaphore(%run_scoped3A : memref<!tpu.dma_semaphore, #tpu.memory_space<semaphore_mem>>) {add = true}
        %dma_wait3A_91 = arith.constant 0 : i32
        %dma_wait3A_92 = arith.constant 0 : i32
        %dma_wait3A_93 = tpu.memref_slice %arg8[%dma_wait3A_91, %dma_wait3A_92] : memref<5120x128xf32, #tpu.memory_space<vmem_shared>> -> memref<5120x128xf32, #tpu.memory_space<vmem_shared>>
        tpu.wait_indirect_dma semaphore(%run_scoped3A : memref<!tpu.dma_semaphore, #tpu.memory_space<semaphore_mem>>) src(%arg12 : memref<40x128xf32, #tpu.memory_space<vmem>>) dst(%dma_wait3A_93 : memref<5120x128xf32, #tpu.memory_space<vmem_shared>>)
        tpu.yield
      }) : () -> ()
      "tpu.region"() ({
        %run_scoped3A = tpu.sem_alloc : memref<!tpu.dma_semaphore, #tpu.memory_space<semaphore_mem>>
        %dma_start3A_88 = arith.constant 0 : i32
        %dma_start3A_89 = arith.constant 0 : i32
        %dma_start3A_90 = tpu.memref_slice %arg9[%dma_start3A_88, %dma_start3A_89] : memref<5120x16xf32, #tpu.memory_space<vmem_shared>> -> memref<5120x16xf32, #tpu.memory_space<vmem_shared>>
        tpu.enqueue_indirect_dma source(%arg14 : memref<40x16xf32, #tpu.memory_space<vmem>>) target(%dma_start3A_90 : memref<5120x16xf32, #tpu.memory_space<vmem_shared>>) offsets(%arg11 : memref<40xi32, #tpu.memory_space<vmem>>) semaphore(%run_scoped3A : memref<!tpu.dma_semaphore, #tpu.memory_space<semaphore_mem>>) {add = true}
        %dma_wait3A_91 = arith.constant 0 : i32
        %dma_wait3A_92 = arith.constant 0 : i32
        %dma_wait3A_93 = tpu.memref_slice %arg9[%dma_wait3A_91, %dma_wait3A_92] : memref<5120x16xf32, #tpu.memory_space<vmem_shared>> -> memref<5120x16xf32, #tpu.memory_space<vmem_shared>>
        tpu.wait_indirect_dma semaphore(%run_scoped3A : memref<!tpu.dma_semaphore, #tpu.memory_space<semaphore_mem>>) src(%arg14 : memref<40x16xf32, #tpu.memory_space<vmem>>) dst(%dma_wait3A_93 : memref<5120x16xf32, #tpu.memory_space<vmem_shared>>)
        tpu.yield
      }) : () -> ()
    }
    %scan3A_37 = arith.constant 250 : i32
    %barrier3A_38 = arith.constant 0 : index
    tpu.barrier barrier_id(%barrier3A_38)
    %mul3A_39 = arith.constant 5120 : i32
    %mul3A_40 = arith.muli %arg0, %mul3A_39 : i32
    %add3A_41 = arith.addi %mul3A_40, %mul3A_2 : i32
    %add3A_42 = arith.constant 0 : i32
    %add3A_43 = arith.addi %mul3A_2, %add3A_42 : i32
    %add3A_44 = arith.constant 0 : i32
    %add3A_45 = arith.addi %add3A_41, %add3A_44 : i32
    "tpu.region"() ({
      %run_scoped3A = tpu.sem_alloc : memref<!tpu.dma_semaphore, #tpu.memory_space<semaphore_mem>>
      %dma_start3A = arith.constant 0 : i32
      %dma_start3A_74 = tpu.memref_slice %arg8[%add3A_43, %dma_start3A] : memref<5120x128xf32, #tpu.memory_space<vmem_shared>> -> memref<40x128xf32, #tpu.memory_space<vmem_shared>>
      %dma_start3A_75 = arith.constant 0 : i32
      %dma_start3A_76 = tpu.memref_slice %arg8[%add3A_43, %dma_start3A_75] : memref<5120x128xf32, #tpu.memory_space<vmem_shared>> -> memref<40x128xf32, #tpu.memory_space<vmem_shared>>
      tpu.enqueue_dma source(%dma_start3A_76 : memref<40x128xf32, #tpu.memory_space<vmem_shared>>) target(%arg12 : memref<40x128xf32, #tpu.memory_space<vmem>>) target_semaphore(%run_scoped3A : memref<!tpu.dma_semaphore, #tpu.memory_space<semaphore_mem>>)
      %dma_wait3A = arith.constant 0 : i32
      %dma_wait3A_77 = tpu.memref_slice %arg8[%add3A_43, %dma_wait3A] : memref<5120x128xf32, #tpu.memory_space<vmem_shared>> -> memref<40x128xf32, #tpu.memory_space<vmem_shared>>
      %dma_wait3A_78 = arith.constant 0 : i32
      %dma_wait3A_79 = tpu.memref_slice %arg8[%add3A_43, %dma_wait3A_78] : memref<5120x128xf32, #tpu.memory_space<vmem_shared>> -> memref<40x128xf32, #tpu.memory_space<vmem_shared>>
      tpu.wait_dma2 semaphore(%run_scoped3A : memref<!tpu.dma_semaphore, #tpu.memory_space<semaphore_mem>>) src(%dma_wait3A_79 : memref<40x128xf32, #tpu.memory_space<vmem_shared>>) dst(%arg12 : memref<40x128xf32, #tpu.memory_space<vmem>>)
      tpu.yield
    }) : () -> ()
    "tpu.region"() ({
      %run_scoped3A = tpu.sem_alloc : memref<!tpu.dma_semaphore, #tpu.memory_space<semaphore_mem>>
      %dma_start3A = arith.constant 0 : i32
      %dma_start3A_74 = tpu.memref_slice %arg6[%add3A_45, %dma_start3A] : memref<10240x128xf32, #tpu.memory_space<hbm>> -> memref<40x128xf32, #tpu.memory_space<hbm>>
      %dma_start3A_75 = arith.constant 0 : i32
      %dma_start3A_76 = tpu.memref_slice %arg6[%add3A_45, %dma_start3A_75] : memref<10240x128xf32, #tpu.memory_space<hbm>> -> memref<40x128xf32, #tpu.memory_space<hbm>>
      tpu.enqueue_dma source(%arg12 : memref<40x128xf32, #tpu.memory_space<vmem>>) target(%dma_start3A_76 : memref<40x128xf32, #tpu.memory_space<hbm>>) target_semaphore(%run_scoped3A : memref<!tpu.dma_semaphore, #tpu.memory_space<semaphore_mem>>)
      %dma_wait3A = arith.constant 0 : i32
      %dma_wait3A_77 = tpu.memref_slice %arg6[%add3A_45, %dma_wait3A] : memref<10240x128xf32, #tpu.memory_space<hbm>> -> memref<40x128xf32, #tpu.memory_space<hbm>>
      %dma_wait3A_78 = arith.constant 0 : i32
      %dma_wait3A_79 = tpu.memref_slice %arg6[%add3A_45, %dma_wait3A_78] : memref<10240x128xf32, #tpu.memory_space<hbm>> -> memref<40x128xf32, #tpu.memory_space<hbm>>
      tpu.wait_dma2 semaphore(%run_scoped3A : memref<!tpu.dma_semaphore, #tpu.memory_space<semaphore_mem>>) src(%arg12 : memref<40x128xf32, #tpu.memory_space<vmem>>) dst(%dma_wait3A_79 : memref<40x128xf32, #tpu.memory_space<hbm>>)
      tpu.yield
    }) : () -> ()
    "tpu.region"() ({
      %run_scoped3A = tpu.sem_alloc : memref<!tpu.dma_semaphore, #tpu.memory_space<semaphore_mem>>
      %dma_start3A = arith.constant 0 : i32
      %dma_start3A_74 = tpu.memref_slice %arg9[%add3A_43, %dma_start3A] : memref<5120x16xf32, #tpu.memory_space<vmem_shared>> -> memref<40x16xf32, #tpu.memory_space<vmem_shared>>
      %dma_start3A_75 = arith.constant 0 : i32
      %dma_start3A_76 = tpu.memref_slice %arg9[%add3A_43, %dma_start3A_75] : memref<5120x16xf32, #tpu.memory_space<vmem_shared>> -> memref<40x16xf32, #tpu.memory_space<vmem_shared>>
      tpu.enqueue_dma source(%dma_start3A_76 : memref<40x16xf32, #tpu.memory_space<vmem_shared>>) target(%arg14 : memref<40x16xf32, #tpu.memory_space<vmem>>) target_semaphore(%run_scoped3A : memref<!tpu.dma_semaphore, #tpu.memory_space<semaphore_mem>>)
      %dma_wait3A = arith.constant 0 : i32
      %dma_wait3A_77 = tpu.memref_slice %arg9[%add3A_43, %dma_wait3A] : memref<5120x16xf32, #tpu.memory_space<vmem_shared>> -> memref<40x16xf32, #tpu.memory_space<vmem_shared>>
      %dma_wait3A_78 = arith.constant 0 : i32
      %dma_wait3A_79 = tpu.memref_slice %arg9[%add3A_43, %dma_wait3A_78] : memref<5120x16xf32, #tpu.memory_space<vmem_shared>> -> memref<40x16xf32, #tpu.memory_space<vmem_shared>>
      tpu.wait_dma2 semaphore(%run_scoped3A : memref<!tpu.dma_semaphore, #tpu.memory_space<semaphore_mem>>) src(%dma_wait3A_79 : memref<40x16xf32, #tpu.memory_space<vmem_shared>>) dst(%arg14 : memref<40x16xf32, #tpu.memory_space<vmem>>)
      tpu.yield
    }) : () -> ()
    "tpu.region"() ({
      %run_scoped3A = tpu.sem_alloc : memref<!tpu.dma_semaphore, #tpu.memory_space<semaphore_mem>>
      %dma_start3A = arith.constant 0 : i32
      %dma_start3A_74 = tpu.memref_slice %arg7[%add3A_45, %dma_start3A] : memref<10240x16xf32, #tpu.memory_space<hbm>> -> memref<40x16xf32, #tpu.memory_space<hbm>>
      %dma_start3A_75 = arith.constant 0 : i32
      %dma_start3A_76 = tpu.memref_slice %arg7[%add3A_45, %dma_start3A_75] : memref<10240x16xf32, #tpu.memory_space<hbm>> -> memref<40x16xf32, #tpu.memory_space<hbm>>
      tpu.enqueue_dma source(%arg14 : memref<40x16xf32, #tpu.memory_space<vmem>>) target(%dma_start3A_76 : memref<40x16xf32, #tpu.memory_space<hbm>>) target_semaphore(%run_scoped3A : memref<!tpu.dma_semaphore, #tpu.memory_space<semaphore_mem>>)
      %dma_wait3A = arith.constant 0 : i32
      %dma_wait3A_77 = tpu.memref_slice %arg7[%add3A_45, %dma_wait3A] : memref<10240x16xf32, #tpu.memory_space<hbm>> -> memref<40x16xf32, #tpu.memory_space<hbm>>
      %dma_wait3A_78 = arith.constant 0 : i32
      %dma_wait3A_79 = tpu.memref_slice %arg7[%add3A_45, %dma_wait3A_78] : memref<10240x16xf32, #tpu.memory_space<hbm>> -> memref<40x16xf32, #tpu.memory_space<hbm>>
      tpu.wait_dma2 semaphore(%run_scoped3A : memref<!tpu.dma_semaphore, #tpu.memory_space<semaphore_mem>>) src(%arg14 : memref<40x16xf32, #tpu.memory_space<vmem>>) dst(%dma_wait3A_79 : memref<40x16xf32, #tpu.memory_space<hbm>>)
      tpu.yield
    }) : () -> ()
    %add3A_46 = arith.constant 40 : i32
    %add3A_47 = arith.addi %mul3A_2, %add3A_46 : i32
    %add3A_48 = arith.constant 40 : i32
    %add3A_49 = arith.addi %add3A_41, %add3A_48 : i32
    "tpu.region"() ({
      %run_scoped3A = tpu.sem_alloc : memref<!tpu.dma_semaphore, #tpu.memory_space<semaphore_mem>>
      %dma_start3A = arith.constant 0 : i32
      %dma_start3A_74 = tpu.memref_slice %arg8[%add3A_47, %dma_start3A] : memref<5120x128xf32, #tpu.memory_space<vmem_shared>> -> memref<40x128xf32, #tpu.memory_space<vmem_shared>>
      %dma_start3A_75 = arith.constant 0 : i32
      %dma_start3A_76 = tpu.memref_slice %arg8[%add3A_47, %dma_start3A_75] : memref<5120x128xf32, #tpu.memory_space<vmem_shared>> -> memref<40x128xf32, #tpu.memory_space<vmem_shared>>
      tpu.enqueue_dma source(%dma_start3A_76 : memref<40x128xf32, #tpu.memory_space<vmem_shared>>) target(%arg12 : memref<40x128xf32, #tpu.memory_space<vmem>>) target_semaphore(%run_scoped3A : memref<!tpu.dma_semaphore, #tpu.memory_space<semaphore_mem>>)
      %dma_wait3A = arith.constant 0 : i32
      %dma_wait3A_77 = tpu.memref_slice %arg8[%add3A_47, %dma_wait3A] : memref<5120x128xf32, #tpu.memory_space<vmem_shared>> -> memref<40x128xf32, #tpu.memory_space<vmem_shared>>
      %dma_wait3A_78 = arith.constant 0 : i32
      %dma_wait3A_79 = tpu.memref_slice %arg8[%add3A_47, %dma_wait3A_78] : memref<5120x128xf32, #tpu.memory_space<vmem_shared>> -> memref<40x128xf32, #tpu.memory_space<vmem_shared>>
      tpu.wait_dma2 semaphore(%run_scoped3A : memref<!tpu.dma_semaphore, #tpu.memory_space<semaphore_mem>>) src(%dma_wait3A_79 : memref<40x128xf32, #tpu.memory_space<vmem_shared>>) dst(%arg12 : memref<40x128xf32, #tpu.memory_space<vmem>>)
      tpu.yield
    }) : () -> ()
    "tpu.region"() ({
      %run_scoped3A = tpu.sem_alloc : memref<!tpu.dma_semaphore, #tpu.memory_space<semaphore_mem>>
      %dma_start3A = arith.constant 0 : i32
      %dma_start3A_74 = tpu.memref_slice %arg6[%add3A_49, %dma_start3A] : memref<10240x128xf32, #tpu.memory_space<hbm>> -> memref<40x128xf32, #tpu.memory_space<hbm>>
      %dma_start3A_75 = arith.constant 0 : i32
      %dma_start3A_76 = tpu.memref_slice %arg6[%add3A_49, %dma_start3A_75] : memref<10240x128xf32, #tpu.memory_space<hbm>> -> memref<40x128xf32, #tpu.memory_space<hbm>>
      tpu.enqueue_dma source(%arg12 : memref<40x128xf32, #tpu.memory_space<vmem>>) target(%dma_start3A_76 : memref<40x128xf32, #tpu.memory_space<hbm>>) target_semaphore(%run_scoped3A : memref<!tpu.dma_semaphore, #tpu.memory_space<semaphore_mem>>)
      %dma_wait3A = arith.constant 0 : i32
      %dma_wait3A_77 = tpu.memref_slice %arg6[%add3A_49, %dma_wait3A] : memref<10240x128xf32, #tpu.memory_space<hbm>> -> memref<40x128xf32, #tpu.memory_space<hbm>>
      %dma_wait3A_78 = arith.constant 0 : i32
      %dma_wait3A_79 = tpu.memref_slice %arg6[%add3A_49, %dma_wait3A_78] : memref<10240x128xf32, #tpu.memory_space<hbm>> -> memref<40x128xf32, #tpu.memory_space<hbm>>
      tpu.wait_dma2 semaphore(%run_scoped3A : memref<!tpu.dma_semaphore, #tpu.memory_space<semaphore_mem>>) src(%arg12 : memref<40x128xf32, #tpu.memory_space<vmem>>) dst(%dma_wait3A_79 : memref<40x128xf32, #tpu.memory_space<hbm>>)
      tpu.yield
    }) : () -> ()
    "tpu.region"() ({
      %run_scoped3A = tpu.sem_alloc : memref<!tpu.dma_semaphore, #tpu.memory_space<semaphore_mem>>
      %dma_start3A = arith.constant 0 : i32
      %dma_start3A_74 = tpu.memref_slice %arg9[%add3A_47, %dma_start3A] : memref<5120x16xf32, #tpu.memory_space<vmem_shared>> -> memref<40x16xf32, #tpu.memory_space<vmem_shared>>
      %dma_start3A_75 = arith.constant 0 : i32
      %dma_start3A_76 = tpu.memref_slice %arg9[%add3A_47, %dma_start3A_75] : memref<5120x16xf32, #tpu.memory_space<vmem_shared>> -> memref<40x16xf32, #tpu.memory_space<vmem_shared>>
      tpu.enqueue_dma source(%dma_start3A_76 : memref<40x16xf32, #tpu.memory_space<vmem_shared>>) target(%arg14 : memref<40x16xf32, #tpu.memory_space<vmem>>) target_semaphore(%run_scoped3A : memref<!tpu.dma_semaphore, #tpu.memory_space<semaphore_mem>>)
      %dma_wait3A = arith.constant 0 : i32
      %dma_wait3A_77 = tpu.memref_slice %arg9[%add3A_47, %dma_wait3A] : memref<5120x16xf32, #tpu.memory_space<vmem_shared>> -> memref<40x16xf32, #tpu.memory_space<vmem_shared>>
      %dma_wait3A_78 = arith.constant 0 : i32
      %dma_wait3A_79 = tpu.memref_slice %arg9[%add3A_47, %dma_wait3A_78] : memref<5120x16xf32, #tpu.memory_space<vmem_shared>> -> memref<40x16xf32, #tpu.memory_space<vmem_shared>>
      tpu.wait_dma2 semaphore(%run_scoped3A : memref<!tpu.dma_semaphore, #tpu.memory_space<semaphore_mem>>) src(%dma_wait3A_79 : memref<40x16xf32, #tpu.memory_space<vmem_shared>>) dst(%arg14 : memref<40x16xf32, #tpu.memory_space<vmem>>)
      tpu.yield
    }) : () -> ()
    "tpu.region"() ({
      %run_scoped3A = tpu.sem_alloc : memref<!tpu.dma_semaphore, #tpu.memory_space<semaphore_mem>>
      %dma_start3A = arith.constant 0 : i32
      %dma_start3A_74 = tpu.memref_slice %arg7[%add3A_49, %dma_start3A] : memref<10240x16xf32, #tpu.memory_space<hbm>> -> memref<40x16xf32, #tpu.memory_space<hbm>>
      %dma_start3A_75 = arith.constant 0 : i32
      %dma_start3A_76 = tpu.memref_slice %arg7[%add3A_49, %dma_start3A_75] : memref<10240x16xf32, #tpu.memory_space<hbm>> -> memref<40x16xf32, #tpu.memory_space<hbm>>
      tpu.enqueue_dma source(%arg14 : memref<40x16xf32, #tpu.memory_space<vmem>>) target(%dma_start3A_76 : memref<40x16xf32, #tpu.memory_space<hbm>>) target_semaphore(%run_scoped3A : memref<!tpu.dma_semaphore, #tpu.memory_space<semaphore_mem>>)
      %dma_wait3A = arith.constant 0 : i32
      %dma_wait3A_77 = tpu.memref_slice %arg7[%add3A_49, %dma_wait3A] : memref<10240x16xf32, #tpu.memory_space<hbm>> -> memref<40x16xf32, #tpu.memory_space<hbm>>
      %dma_wait3A_78 = arith.constant 0 : i32
      %dma_wait3A_79 = tpu.memref_slice %arg7[%add3A_49, %dma_wait3A_78] : memref<10240x16xf32, #tpu.memory_space<hbm>> -> memref<40x16xf32, #tpu.memory_space<hbm>>
      tpu.wait_dma2 semaphore(%run_scoped3A : memref<!tpu.dma_semaphore, #tpu.memory_space<semaphore_mem>>) src(%arg14 : memref<40x16xf32, #tpu.memory_space<vmem>>) dst(%dma_wait3A_79 : memref<40x16xf32, #tpu.memory_space<hbm>>)
      tpu.yield
    }) : () -> ()
    %add3A_50 = arith.constant 80 : i32
    %add3A_51 = arith.addi %mul3A_2, %add3A_50 : i32
    %add3A_52 = arith.constant 80 : i32
    %add3A_53 = arith.addi %add3A_41, %add3A_52 : i32
    "tpu.region"() ({
      %run_scoped3A = tpu.sem_alloc : memref<!tpu.dma_semaphore, #tpu.memory_space<semaphore_mem>>
      %dma_start3A = arith.constant 0 : i32
      %dma_start3A_74 = tpu.memref_slice %arg8[%add3A_51, %dma_start3A] : memref<5120x128xf32, #tpu.memory_space<vmem_shared>> -> memref<40x128xf32, #tpu.memory_space<vmem_shared>>
      %dma_start3A_75 = arith.constant 0 : i32
      %dma_start3A_76 = tpu.memref_slice %arg8[%add3A_51, %dma_start3A_75] : memref<5120x128xf32, #tpu.memory_space<vmem_shared>> -> memref<40x128xf32, #tpu.memory_space<vmem_shared>>
      tpu.enqueue_dma source(%dma_start3A_76 : memref<40x128xf32, #tpu.memory_space<vmem_shared>>) target(%arg12 : memref<40x128xf32, #tpu.memory_space<vmem>>) target_semaphore(%run_scoped3A : memref<!tpu.dma_semaphore, #tpu.memory_space<semaphore_mem>>)
      %dma_wait3A = arith.constant 0 : i32
      %dma_wait3A_77 = tpu.memref_slice %arg8[%add3A_51, %dma_wait3A] : memref<5120x128xf32, #tpu.memory_space<vmem_shared>> -> memref<40x128xf32, #tpu.memory_space<vmem_shared>>
      %dma_wait3A_78 = arith.constant 0 : i32
      %dma_wait3A_79 = tpu.memref_slice %arg8[%add3A_51, %dma_wait3A_78] : memref<5120x128xf32, #tpu.memory_space<vmem_shared>> -> memref<40x128xf32, #tpu.memory_space<vmem_shared>>
      tpu.wait_dma2 semaphore(%run_scoped3A : memref<!tpu.dma_semaphore, #tpu.memory_space<semaphore_mem>>) src(%dma_wait3A_79 : memref<40x128xf32, #tpu.memory_space<vmem_shared>>) dst(%arg12 : memref<40x128xf32, #tpu.memory_space<vmem>>)
      tpu.yield
    }) : () -> ()
    "tpu.region"() ({
      %run_scoped3A = tpu.sem_alloc : memref<!tpu.dma_semaphore, #tpu.memory_space<semaphore_mem>>
      %dma_start3A = arith.constant 0 : i32
      %dma_start3A_74 = tpu.memref_slice %arg6[%add3A_53, %dma_start3A] : memref<10240x128xf32, #tpu.memory_space<hbm>> -> memref<40x128xf32, #tpu.memory_space<hbm>>
      %dma_start3A_75 = arith.constant 0 : i32
      %dma_start3A_76 = tpu.memref_slice %arg6[%add3A_53, %dma_start3A_75] : memref<10240x128xf32, #tpu.memory_space<hbm>> -> memref<40x128xf32, #tpu.memory_space<hbm>>
      tpu.enqueue_dma source(%arg12 : memref<40x128xf32, #tpu.memory_space<vmem>>) target(%dma_start3A_76 : memref<40x128xf32, #tpu.memory_space<hbm>>) target_semaphore(%run_scoped3A : memref<!tpu.dma_semaphore, #tpu.memory_space<semaphore_mem>>)
      %dma_wait3A = arith.constant 0 : i32
      %dma_wait3A_77 = tpu.memref_slice %arg6[%add3A_53, %dma_wait3A] : memref<10240x128xf32, #tpu.memory_space<hbm>> -> memref<40x128xf32, #tpu.memory_space<hbm>>
      %dma_wait3A_78 = arith.constant 0 : i32
      %dma_wait3A_79 = tpu.memref_slice %arg6[%add3A_53, %dma_wait3A_78] : memref<10240x128xf32, #tpu.memory_space<hbm>> -> memref<40x128xf32, #tpu.memory_space<hbm>>
      tpu.wait_dma2 semaphore(%run_scoped3A : memref<!tpu.dma_semaphore, #tpu.memory_space<semaphore_mem>>) src(%arg12 : memref<40x128xf32, #tpu.memory_space<vmem>>) dst(%dma_wait3A_79 : memref<40x128xf32, #tpu.memory_space<hbm>>)
      tpu.yield
    }) : () -> ()
    "tpu.region"() ({
      %run_scoped3A = tpu.sem_alloc : memref<!tpu.dma_semaphore, #tpu.memory_space<semaphore_mem>>
      %dma_start3A = arith.constant 0 : i32
      %dma_start3A_74 = tpu.memref_slice %arg9[%add3A_51, %dma_start3A] : memref<5120x16xf32, #tpu.memory_space<vmem_shared>> -> memref<40x16xf32, #tpu.memory_space<vmem_shared>>
      %dma_start3A_75 = arith.constant 0 : i32
      %dma_start3A_76 = tpu.memref_slice %arg9[%add3A_51, %dma_start3A_75] : memref<5120x16xf32, #tpu.memory_space<vmem_shared>> -> memref<40x16xf32, #tpu.memory_space<vmem_shared>>
      tpu.enqueue_dma source(%dma_start3A_76 : memref<40x16xf32, #tpu.memory_space<vmem_shared>>) target(%arg14 : memref<40x16xf32, #tpu.memory_space<vmem>>) target_semaphore(%run_scoped3A : memref<!tpu.dma_semaphore, #tpu.memory_space<semaphore_mem>>)
      %dma_wait3A = arith.constant 0 : i32
      %dma_wait3A_77 = tpu.memref_slice %arg9[%add3A_51, %dma_wait3A] : memref<5120x16xf32, #tpu.memory_space<vmem_shared>> -> memref<40x16xf32, #tpu.memory_space<vmem_shared>>
      %dma_wait3A_78 = arith.constant 0 : i32
      %dma_wait3A_79 = tpu.memref_slice %arg9[%add3A_51, %dma_wait3A_78] : memref<5120x16xf32, #tpu.memory_space<vmem_shared>> -> memref<40x16xf32, #tpu.memory_space<vmem_shared>>
      tpu.wait_dma2 semaphore(%run_scoped3A : memref<!tpu.dma_semaphore, #tpu.memory_space<semaphore_mem>>) src(%dma_wait3A_79 : memref<40x16xf32, #tpu.memory_space<vmem_shared>>) dst(%arg14 : memref<40x16xf32, #tpu.memory_space<vmem>>)
      tpu.yield
    }) : () -> ()
    "tpu.region"() ({
      %run_scoped3A = tpu.sem_alloc : memref<!tpu.dma_semaphore, #tpu.memory_space<semaphore_mem>>
      %dma_start3A = arith.constant 0 : i32
      %dma_start3A_74 = tpu.memref_slice %arg7[%add3A_53, %dma_start3A] : memref<10240x16xf32, #tpu.memory_space<hbm>> -> memref<40x16xf32, #tpu.memory_space<hbm>>
      %dma_start3A_75 = arith.constant 0 : i32
      %dma_start3A_76 = tpu.memref_slice %arg7[%add3A_53, %dma_start3A_75] : memref<10240x16xf32, #tpu.memory_space<hbm>> -> memref<40x16xf32, #tpu.memory_space<hbm>>
      tpu.enqueue_dma source(%arg14 : memref<40x16xf32, #tpu.memory_space<vmem>>) target(%dma_start3A_76 : memref<40x16xf32, #tpu.memory_space<hbm>>) target_semaphore(%run_scoped3A : memref<!tpu.dma_semaphore, #tpu.memory_space<semaphore_mem>>)
      %dma_wait3A = arith.constant 0 : i32
      %dma_wait3A_77 = tpu.memref_slice %arg7[%add3A_53, %dma_wait3A] : memref<10240x16xf32, #tpu.memory_space<hbm>> -> memref<40x16xf32, #tpu.memory_space<hbm>>
      %dma_wait3A_78 = arith.constant 0 : i32
      %dma_wait3A_79 = tpu.memref_slice %arg7[%add3A_53, %dma_wait3A_78] : memref<10240x16xf32, #tpu.memory_space<hbm>> -> memref<40x16xf32, #tpu.memory_space<hbm>>
      tpu.wait_dma2 semaphore(%run_scoped3A : memref<!tpu.dma_semaphore, #tpu.memory_space<semaphore_mem>>) src(%arg14 : memref<40x16xf32, #tpu.memory_space<vmem>>) dst(%dma_wait3A_79 : memref<40x16xf32, #tpu.memory_space<hbm>>)
      tpu.yield
    }) : () -> ()
    %add3A_54 = arith.constant 120 : i32
    %add3A_55 = arith.addi %mul3A_2, %add3A_54 : i32
    %add3A_56 = arith.constant 120 : i32
    %add3A_57 = arith.addi %add3A_41, %add3A_56 : i32
    "tpu.region"() ({
      %run_scoped3A = tpu.sem_alloc : memref<!tpu.dma_semaphore, #tpu.memory_space<semaphore_mem>>
      %dma_start3A = arith.constant 0 : i32
      %dma_start3A_74 = tpu.memref_slice %arg8[%add3A_55, %dma_start3A] : memref<5120x128xf32, #tpu.memory_space<vmem_shared>> -> memref<40x128xf32, #tpu.memory_space<vmem_shared>>
      %dma_start3A_75 = arith.constant 0 : i32
      %dma_start3A_76 = tpu.memref_slice %arg8[%add3A_55, %dma_start3A_75] : memref<5120x128xf32, #tpu.memory_space<vmem_shared>> -> memref<40x128xf32, #tpu.memory_space<vmem_shared>>
      tpu.enqueue_dma source(%dma_start3A_76 : memref<40x128xf32, #tpu.memory_space<vmem_shared>>) target(%arg12 : memref<40x128xf32, #tpu.memory_space<vmem>>) target_semaphore(%run_scoped3A : memref<!tpu.dma_semaphore, #tpu.memory_space<semaphore_mem>>)
      %dma_wait3A = arith.constant 0 : i32
      %dma_wait3A_77 = tpu.memref_slice %arg8[%add3A_55, %dma_wait3A] : memref<5120x128xf32, #tpu.memory_space<vmem_shared>> -> memref<40x128xf32, #tpu.memory_space<vmem_shared>>
      %dma_wait3A_78 = arith.constant 0 : i32
      %dma_wait3A_79 = tpu.memref_slice %arg8[%add3A_55, %dma_wait3A_78] : memref<5120x128xf32, #tpu.memory_space<vmem_shared>> -> memref<40x128xf32, #tpu.memory_space<vmem_shared>>
      tpu.wait_dma2 semaphore(%run_scoped3A : memref<!tpu.dma_semaphore, #tpu.memory_space<semaphore_mem>>) src(%dma_wait3A_79 : memref<40x128xf32, #tpu.memory_space<vmem_shared>>) dst(%arg12 : memref<40x128xf32, #tpu.memory_space<vmem>>)
      tpu.yield
    }) : () -> ()
    "tpu.region"() ({
      %run_scoped3A = tpu.sem_alloc : memref<!tpu.dma_semaphore, #tpu.memory_space<semaphore_mem>>
      %dma_start3A = arith.constant 0 : i32
      %dma_start3A_74 = tpu.memref_slice %arg6[%add3A_57, %dma_start3A] : memref<10240x128xf32, #tpu.memory_space<hbm>> -> memref<40x128xf32, #tpu.memory_space<hbm>>
      %dma_start3A_75 = arith.constant 0 : i32
      %dma_start3A_76 = tpu.memref_slice %arg6[%add3A_57, %dma_start3A_75] : memref<10240x128xf32, #tpu.memory_space<hbm>> -> memref<40x128xf32, #tpu.memory_space<hbm>>
      tpu.enqueue_dma source(%arg12 : memref<40x128xf32, #tpu.memory_space<vmem>>) target(%dma_start3A_76 : memref<40x128xf32, #tpu.memory_space<hbm>>) target_semaphore(%run_scoped3A : memref<!tpu.dma_semaphore, #tpu.memory_space<semaphore_mem>>)
      %dma_wait3A = arith.constant 0 : i32
      %dma_wait3A_77 = tpu.memref_slice %arg6[%add3A_57, %dma_wait3A] : memref<10240x128xf32, #tpu.memory_space<hbm>> -> memref<40x128xf32, #tpu.memory_space<hbm>>
      %dma_wait3A_78 = arith.constant 0 : i32
      %dma_wait3A_79 = tpu.memref_slice %arg6[%add3A_57, %dma_wait3A_78] : memref<10240x128xf32, #tpu.memory_space<hbm>> -> memref<40x128xf32, #tpu.memory_space<hbm>>
      tpu.wait_dma2 semaphore(%run_scoped3A : memref<!tpu.dma_semaphore, #tpu.memory_space<semaphore_mem>>) src(%arg12 : memref<40x128xf32, #tpu.memory_space<vmem>>) dst(%dma_wait3A_79 : memref<40x128xf32, #tpu.memory_space<hbm>>)
      tpu.yield
    }) : () -> ()
    "tpu.region"() ({
      %run_scoped3A = tpu.sem_alloc : memref<!tpu.dma_semaphore, #tpu.memory_space<semaphore_mem>>
      %dma_start3A = arith.constant 0 : i32
      %dma_start3A_74 = tpu.memref_slice %arg9[%add3A_55, %dma_start3A] : memref<5120x16xf32, #tpu.memory_space<vmem_shared>> -> memref<40x16xf32, #tpu.memory_space<vmem_shared>>
      %dma_start3A_75 = arith.constant 0 : i32
      %dma_start3A_76 = tpu.memref_slice %arg9[%add3A_55, %dma_start3A_75] : memref<5120x16xf32, #tpu.memory_space<vmem_shared>> -> memref<40x16xf32, #tpu.memory_space<vmem_shared>>
      tpu.enqueue_dma source(%dma_start3A_76 : memref<40x16xf32, #tpu.memory_space<vmem_shared>>) target(%arg14 : memref<40x16xf32, #tpu.memory_space<vmem>>) target_semaphore(%run_scoped3A : memref<!tpu.dma_semaphore, #tpu.memory_space<semaphore_mem>>)
      %dma_wait3A = arith.constant 0 : i32
      %dma_wait3A_77 = tpu.memref_slice %arg9[%add3A_55, %dma_wait3A] : memref<5120x16xf32, #tpu.memory_space<vmem_shared>> -> memref<40x16xf32, #tpu.memory_space<vmem_shared>>
      %dma_wait3A_78 = arith.constant 0 : i32
      %dma_wait3A_79 = tpu.memref_slice %arg9[%add3A_55, %dma_wait3A_78] : memref<5120x16xf32, #tpu.memory_space<vmem_shared>> -> memref<40x16xf32, #tpu.memory_space<vmem_shared>>
      tpu.wait_dma2 semaphore(%run_scoped3A : memref<!tpu.dma_semaphore, #tpu.memory_space<semaphore_mem>>) src(%dma_wait3A_79 : memref<40x16xf32, #tpu.memory_space<vmem_shared>>) dst(%arg14 : memref<40x16xf32, #tpu.memory_space<vmem>>)
      tpu.yield
    }) : () -> ()
    "tpu.region"() ({
      %run_scoped3A = tpu.sem_alloc : memref<!tpu.dma_semaphore, #tpu.memory_space<semaphore_mem>>
      %dma_start3A = arith.constant 0 : i32
      %dma_start3A_74 = tpu.memref_slice %arg7[%add3A_57, %dma_start3A] : memref<10240x16xf32, #tpu.memory_space<hbm>> -> memref<40x16xf32, #tpu.memory_space<hbm>>
      %dma_start3A_75 = arith.constant 0 : i32
      %dma_start3A_76 = tpu.memref_slice %arg7[%add3A_57, %dma_start3A_75] : memref<10240x16xf32, #tpu.memory_space<hbm>> -> memref<40x16xf32, #tpu.memory_space<hbm>>
      tpu.enqueue_dma source(%arg14 : memref<40x16xf32, #tpu.memory_space<vmem>>) target(%dma_start3A_76 : memref<40x16xf32, #tpu.memory_space<hbm>>) target_semaphore(%run_scoped3A : memref<!tpu.dma_semaphore, #tpu.memory_space<semaphore_mem>>)
      %dma_wait3A = arith.constant 0 : i32
      %dma_wait3A_77 = tpu.memref_slice %arg7[%add3A_57, %dma_wait3A] : memref<10240x16xf32, #tpu.memory_space<hbm>> -> memref<40x16xf32, #tpu.memory_space<hbm>>
      %dma_wait3A_78 = arith.constant 0 : i32
      %dma_wait3A_79 = tpu.memref_slice %arg7[%add3A_57, %dma_wait3A_78] : memref<10240x16xf32, #tpu.memory_space<hbm>> -> memref<40x16xf32, #tpu.memory_space<hbm>>
      tpu.wait_dma2 semaphore(%run_scoped3A : memref<!tpu.dma_semaphore, #tpu.memory_space<semaphore_mem>>) src(%arg14 : memref<40x16xf32, #tpu.memory_space<vmem>>) dst(%dma_wait3A_79 : memref<40x16xf32, #tpu.memory_space<hbm>>)
      tpu.yield
    }) : () -> ()
    %add3A_58 = arith.constant 160 : i32
    %add3A_59 = arith.addi %mul3A_2, %add3A_58 : i32
    %add3A_60 = arith.constant 160 : i32
    %add3A_61 = arith.addi %add3A_41, %add3A_60 : i32
    "tpu.region"() ({
      %run_scoped3A = tpu.sem_alloc : memref<!tpu.dma_semaphore, #tpu.memory_space<semaphore_mem>>
      %dma_start3A = arith.constant 0 : i32
      %dma_start3A_74 = tpu.memref_slice %arg8[%add3A_59, %dma_start3A] : memref<5120x128xf32, #tpu.memory_space<vmem_shared>> -> memref<40x128xf32, #tpu.memory_space<vmem_shared>>
      %dma_start3A_75 = arith.constant 0 : i32
      %dma_start3A_76 = tpu.memref_slice %arg8[%add3A_59, %dma_start3A_75] : memref<5120x128xf32, #tpu.memory_space<vmem_shared>> -> memref<40x128xf32, #tpu.memory_space<vmem_shared>>
      tpu.enqueue_dma source(%dma_start3A_76 : memref<40x128xf32, #tpu.memory_space<vmem_shared>>) target(%arg12 : memref<40x128xf32, #tpu.memory_space<vmem>>) target_semaphore(%run_scoped3A : memref<!tpu.dma_semaphore, #tpu.memory_space<semaphore_mem>>)
      %dma_wait3A = arith.constant 0 : i32
      %dma_wait3A_77 = tpu.memref_slice %arg8[%add3A_59, %dma_wait3A] : memref<5120x128xf32, #tpu.memory_space<vmem_shared>> -> memref<40x128xf32, #tpu.memory_space<vmem_shared>>
      %dma_wait3A_78 = arith.constant 0 : i32
      %dma_wait3A_79 = tpu.memref_slice %arg8[%add3A_59, %dma_wait3A_78] : memref<5120x128xf32, #tpu.memory_space<vmem_shared>> -> memref<40x128xf32, #tpu.memory_space<vmem_shared>>
      tpu.wait_dma2 semaphore(%run_scoped3A : memref<!tpu.dma_semaphore, #tpu.memory_space<semaphore_mem>>) src(%dma_wait3A_79 : memref<40x128xf32, #tpu.memory_space<vmem_shared>>) dst(%arg12 : memref<40x128xf32, #tpu.memory_space<vmem>>)
      tpu.yield
    }) : () -> ()
    "tpu.region"() ({
      %run_scoped3A = tpu.sem_alloc : memref<!tpu.dma_semaphore, #tpu.memory_space<semaphore_mem>>
      %dma_start3A = arith.constant 0 : i32
      %dma_start3A_74 = tpu.memref_slice %arg6[%add3A_61, %dma_start3A] : memref<10240x128xf32, #tpu.memory_space<hbm>> -> memref<40x128xf32, #tpu.memory_space<hbm>>
      %dma_start3A_75 = arith.constant 0 : i32
      %dma_start3A_76 = tpu.memref_slice %arg6[%add3A_61, %dma_start3A_75] : memref<10240x128xf32, #tpu.memory_space<hbm>> -> memref<40x128xf32, #tpu.memory_space<hbm>>
      tpu.enqueue_dma source(%arg12 : memref<40x128xf32, #tpu.memory_space<vmem>>) target(%dma_start3A_76 : memref<40x128xf32, #tpu.memory_space<hbm>>) target_semaphore(%run_scoped3A : memref<!tpu.dma_semaphore, #tpu.memory_space<semaphore_mem>>)
      %dma_wait3A = arith.constant 0 : i32
      %dma_wait3A_77 = tpu.memref_slice %arg6[%add3A_61, %dma_wait3A] : memref<10240x128xf32, #tpu.memory_space<hbm>> -> memref<40x128xf32, #tpu.memory_space<hbm>>
      %dma_wait3A_78 = arith.constant 0 : i32
      %dma_wait3A_79 = tpu.memref_slice %arg6[%add3A_61, %dma_wait3A_78] : memref<10240x128xf32, #tpu.memory_space<hbm>> -> memref<40x128xf32, #tpu.memory_space<hbm>>
      tpu.wait_dma2 semaphore(%run_scoped3A : memref<!tpu.dma_semaphore, #tpu.memory_space<semaphore_mem>>) src(%arg12 : memref<40x128xf32, #tpu.memory_space<vmem>>) dst(%dma_wait3A_79 : memref<40x128xf32, #tpu.memory_space<hbm>>)
      tpu.yield
    }) : () -> ()
    "tpu.region"() ({
      %run_scoped3A = tpu.sem_alloc : memref<!tpu.dma_semaphore, #tpu.memory_space<semaphore_mem>>
      %dma_start3A = arith.constant 0 : i32
      %dma_start3A_74 = tpu.memref_slice %arg9[%add3A_59, %dma_start3A] : memref<5120x16xf32, #tpu.memory_space<vmem_shared>> -> memref<40x16xf32, #tpu.memory_space<vmem_shared>>
      %dma_start3A_75 = arith.constant 0 : i32
      %dma_start3A_76 = tpu.memref_slice %arg9[%add3A_59, %dma_start3A_75] : memref<5120x16xf32, #tpu.memory_space<vmem_shared>> -> memref<40x16xf32, #tpu.memory_space<vmem_shared>>
      tpu.enqueue_dma source(%dma_start3A_76 : memref<40x16xf32, #tpu.memory_space<vmem_shared>>) target(%arg14 : memref<40x16xf32, #tpu.memory_space<vmem>>) target_semaphore(%run_scoped3A : memref<!tpu.dma_semaphore, #tpu.memory_space<semaphore_mem>>)
      %dma_wait3A = arith.constant 0 : i32
      %dma_wait3A_77 = tpu.memref_slice %arg9[%add3A_59, %dma_wait3A] : memref<5120x16xf32, #tpu.memory_space<vmem_shared>> -> memref<40x16xf32, #tpu.memory_space<vmem_shared>>
      %dma_wait3A_78 = arith.constant 0 : i32
      %dma_wait3A_79 = tpu.memref_slice %arg9[%add3A_59, %dma_wait3A_78] : memref<5120x16xf32, #tpu.memory_space<vmem_shared>> -> memref<40x16xf32, #tpu.memory_space<vmem_shared>>
      tpu.wait_dma2 semaphore(%run_scoped3A : memref<!tpu.dma_semaphore, #tpu.memory_space<semaphore_mem>>) src(%dma_wait3A_79 : memref<40x16xf32, #tpu.memory_space<vmem_shared>>) dst(%arg14 : memref<40x16xf32, #tpu.memory_space<vmem>>)
      tpu.yield
    }) : () -> ()
    "tpu.region"() ({
      %run_scoped3A = tpu.sem_alloc : memref<!tpu.dma_semaphore, #tpu.memory_space<semaphore_mem>>
      %dma_start3A = arith.constant 0 : i32
      %dma_start3A_74 = tpu.memref_slice %arg7[%add3A_61, %dma_start3A] : memref<10240x16xf32, #tpu.memory_space<hbm>> -> memref<40x16xf32, #tpu.memory_space<hbm>>
      %dma_start3A_75 = arith.constant 0 : i32
      %dma_start3A_76 = tpu.memref_slice %arg7[%add3A_61, %dma_start3A_75] : memref<10240x16xf32, #tpu.memory_space<hbm>> -> memref<40x16xf32, #tpu.memory_space<hbm>>
      tpu.enqueue_dma source(%arg14 : memref<40x16xf32, #tpu.memory_space<vmem>>) target(%dma_start3A_76 : memref<40x16xf32, #tpu.memory_space<hbm>>) target_semaphore(%run_scoped3A : memref<!tpu.dma_semaphore, #tpu.memory_space<semaphore_mem>>)
      %dma_wait3A = arith.constant 0 : i32
      %dma_wait3A_77 = tpu.memref_slice %arg7[%add3A_61, %dma_wait3A] : memref<10240x16xf32, #tpu.memory_space<hbm>> -> memref<40x16xf32, #tpu.memory_space<hbm>>
      %dma_wait3A_78 = arith.constant 0 : i32
      %dma_wait3A_79 = tpu.memref_slice %arg7[%add3A_61, %dma_wait3A_78] : memref<10240x16xf32, #tpu.memory_space<hbm>> -> memref<40x16xf32, #tpu.memory_space<hbm>>
      tpu.wait_dma2 semaphore(%run_scoped3A : memref<!tpu.dma_semaphore, #tpu.memory_space<semaphore_mem>>) src(%arg14 : memref<40x16xf32, #tpu.memory_space<vmem>>) dst(%dma_wait3A_79 : memref<40x16xf32, #tpu.memory_space<hbm>>)
      tpu.yield
    }) : () -> ()
    %add3A_62 = arith.constant 200 : i32
    %add3A_63 = arith.addi %mul3A_2, %add3A_62 : i32
    %add3A_64 = arith.constant 200 : i32
    %add3A_65 = arith.addi %add3A_41, %add3A_64 : i32
    "tpu.region"() ({
      %run_scoped3A = tpu.sem_alloc : memref<!tpu.dma_semaphore, #tpu.memory_space<semaphore_mem>>
      %dma_start3A = arith.constant 0 : i32
      %dma_start3A_74 = tpu.memref_slice %arg8[%add3A_63, %dma_start3A] : memref<5120x128xf32, #tpu.memory_space<vmem_shared>> -> memref<40x128xf32, #tpu.memory_space<vmem_shared>>
      %dma_start3A_75 = arith.constant 0 : i32
      %dma_start3A_76 = tpu.memref_slice %arg8[%add3A_63, %dma_start3A_75] : memref<5120x128xf32, #tpu.memory_space<vmem_shared>> -> memref<40x128xf32, #tpu.memory_space<vmem_shared>>
      tpu.enqueue_dma source(%dma_start3A_76 : memref<40x128xf32, #tpu.memory_space<vmem_shared>>) target(%arg12 : memref<40x128xf32, #tpu.memory_space<vmem>>) target_semaphore(%run_scoped3A : memref<!tpu.dma_semaphore, #tpu.memory_space<semaphore_mem>>)
      %dma_wait3A = arith.constant 0 : i32
      %dma_wait3A_77 = tpu.memref_slice %arg8[%add3A_63, %dma_wait3A] : memref<5120x128xf32, #tpu.memory_space<vmem_shared>> -> memref<40x128xf32, #tpu.memory_space<vmem_shared>>
      %dma_wait3A_78 = arith.constant 0 : i32
      %dma_wait3A_79 = tpu.memref_slice %arg8[%add3A_63, %dma_wait3A_78] : memref<5120x128xf32, #tpu.memory_space<vmem_shared>> -> memref<40x128xf32, #tpu.memory_space<vmem_shared>>
      tpu.wait_dma2 semaphore(%run_scoped3A : memref<!tpu.dma_semaphore, #tpu.memory_space<semaphore_mem>>) src(%dma_wait3A_79 : memref<40x128xf32, #tpu.memory_space<vmem_shared>>) dst(%arg12 : memref<40x128xf32, #tpu.memory_space<vmem>>)
      tpu.yield
    }) : () -> ()
    "tpu.region"() ({
      %run_scoped3A = tpu.sem_alloc : memref<!tpu.dma_semaphore, #tpu.memory_space<semaphore_mem>>
      %dma_start3A = arith.constant 0 : i32
      %dma_start3A_74 = tpu.memref_slice %arg6[%add3A_65, %dma_start3A] : memref<10240x128xf32, #tpu.memory_space<hbm>> -> memref<40x128xf32, #tpu.memory_space<hbm>>
      %dma_start3A_75 = arith.constant 0 : i32
      %dma_start3A_76 = tpu.memref_slice %arg6[%add3A_65, %dma_start3A_75] : memref<10240x128xf32, #tpu.memory_space<hbm>> -> memref<40x128xf32, #tpu.memory_space<hbm>>
      tpu.enqueue_dma source(%arg12 : memref<40x128xf32, #tpu.memory_space<vmem>>) target(%dma_start3A_76 : memref<40x128xf32, #tpu.memory_space<hbm>>) target_semaphore(%run_scoped3A : memref<!tpu.dma_semaphore, #tpu.memory_space<semaphore_mem>>)
      %dma_wait3A = arith.constant 0 : i32
      %dma_wait3A_77 = tpu.memref_slice %arg6[%add3A_65, %dma_wait3A] : memref<10240x128xf32, #tpu.memory_space<hbm>> -> memref<40x128xf32, #tpu.memory_space<hbm>>
      %dma_wait3A_78 = arith.constant 0 : i32
      %dma_wait3A_79 = tpu.memref_slice %arg6[%add3A_65, %dma_wait3A_78] : memref<10240x128xf32, #tpu.memory_space<hbm>> -> memref<40x128xf32, #tpu.memory_space<hbm>>
      tpu.wait_dma2 semaphore(%run_scoped3A : memref<!tpu.dma_semaphore, #tpu.memory_space<semaphore_mem>>) src(%arg12 : memref<40x128xf32, #tpu.memory_space<vmem>>) dst(%dma_wait3A_79 : memref<40x128xf32, #tpu.memory_space<hbm>>)
      tpu.yield
    }) : () -> ()
    "tpu.region"() ({
      %run_scoped3A = tpu.sem_alloc : memref<!tpu.dma_semaphore, #tpu.memory_space<semaphore_mem>>
      %dma_start3A = arith.constant 0 : i32
      %dma_start3A_74 = tpu.memref_slice %arg9[%add3A_63, %dma_start3A] : memref<5120x16xf32, #tpu.memory_space<vmem_shared>> -> memref<40x16xf32, #tpu.memory_space<vmem_shared>>
      %dma_start3A_75 = arith.constant 0 : i32
      %dma_start3A_76 = tpu.memref_slice %arg9[%add3A_63, %dma_start3A_75] : memref<5120x16xf32, #tpu.memory_space<vmem_shared>> -> memref<40x16xf32, #tpu.memory_space<vmem_shared>>
      tpu.enqueue_dma source(%dma_start3A_76 : memref<40x16xf32, #tpu.memory_space<vmem_shared>>) target(%arg14 : memref<40x16xf32, #tpu.memory_space<vmem>>) target_semaphore(%run_scoped3A : memref<!tpu.dma_semaphore, #tpu.memory_space<semaphore_mem>>)
      %dma_wait3A = arith.constant 0 : i32
      %dma_wait3A_77 = tpu.memref_slice %arg9[%add3A_63, %dma_wait3A] : memref<5120x16xf32, #tpu.memory_space<vmem_shared>> -> memref<40x16xf32, #tpu.memory_space<vmem_shared>>
      %dma_wait3A_78 = arith.constant 0 : i32
      %dma_wait3A_79 = tpu.memref_slice %arg9[%add3A_63, %dma_wait3A_78] : memref<5120x16xf32, #tpu.memory_space<vmem_shared>> -> memref<40x16xf32, #tpu.memory_space<vmem_shared>>
      tpu.wait_dma2 semaphore(%run_scoped3A : memref<!tpu.dma_semaphore, #tpu.memory_space<semaphore_mem>>) src(%dma_wait3A_79 : memref<40x16xf32, #tpu.memory_space<vmem_shared>>) dst(%arg14 : memref<40x16xf32, #tpu.memory_space<vmem>>)
      tpu.yield
    }) : () -> ()
    "tpu.region"() ({
      %run_scoped3A = tpu.sem_alloc : memref<!tpu.dma_semaphore, #tpu.memory_space<semaphore_mem>>
      %dma_start3A = arith.constant 0 : i32
      %dma_start3A_74 = tpu.memref_slice %arg7[%add3A_65, %dma_start3A] : memref<10240x16xf32, #tpu.memory_space<hbm>> -> memref<40x16xf32, #tpu.memory_space<hbm>>
      %dma_start3A_75 = arith.constant 0 : i32
      %dma_start3A_76 = tpu.memref_slice %arg7[%add3A_65, %dma_start3A_75] : memref<10240x16xf32, #tpu.memory_space<hbm>> -> memref<40x16xf32, #tpu.memory_space<hbm>>
      tpu.enqueue_dma source(%arg14 : memref<40x16xf32, #tpu.memory_space<vmem>>) target(%dma_start3A_76 : memref<40x16xf32, #tpu.memory_space<hbm>>) target_semaphore(%run_scoped3A : memref<!tpu.dma_semaphore, #tpu.memory_space<semaphore_mem>>)
      %dma_wait3A = arith.constant 0 : i32
      %dma_wait3A_77 = tpu.memref_slice %arg7[%add3A_65, %dma_wait3A] : memref<10240x16xf32, #tpu.memory_space<hbm>> -> memref<40x16xf32, #tpu.memory_space<hbm>>
      %dma_wait3A_78 = arith.constant 0 : i32
      %dma_wait3A_79 = tpu.memref_slice %arg7[%add3A_65, %dma_wait3A_78] : memref<10240x16xf32, #tpu.memory_space<hbm>> -> memref<40x16xf32, #tpu.memory_space<hbm>>
      tpu.wait_dma2 semaphore(%run_scoped3A : memref<!tpu.dma_semaphore, #tpu.memory_space<semaphore_mem>>) src(%arg14 : memref<40x16xf32, #tpu.memory_space<vmem>>) dst(%dma_wait3A_79 : memref<40x16xf32, #tpu.memory_space<hbm>>)
      tpu.yield
    }) : () -> ()
    %add3A_66 = arith.constant 240 : i32
    %add3A_67 = arith.addi %mul3A_2, %add3A_66 : i32
    %add3A_68 = arith.constant 240 : i32
    %add3A_69 = arith.addi %add3A_41, %add3A_68 : i32
    "tpu.region"() ({
      %run_scoped3A = tpu.sem_alloc : memref<!tpu.dma_semaphore, #tpu.memory_space<semaphore_mem>>
      %dma_start3A = arith.constant 0 : i32
      %dma_start3A_74 = tpu.memref_slice %arg8[%add3A_67, %dma_start3A] : memref<5120x128xf32, #tpu.memory_space<vmem_shared>> -> memref<40x128xf32, #tpu.memory_space<vmem_shared>>
      %dma_start3A_75 = arith.constant 0 : i32
      %dma_start3A_76 = tpu.memref_slice %arg8[%add3A_67, %dma_start3A_75] : memref<5120x128xf32, #tpu.memory_space<vmem_shared>> -> memref<40x128xf32, #tpu.memory_space<vmem_shared>>
      tpu.enqueue_dma source(%dma_start3A_76 : memref<40x128xf32, #tpu.memory_space<vmem_shared>>) target(%arg12 : memref<40x128xf32, #tpu.memory_space<vmem>>) target_semaphore(%run_scoped3A : memref<!tpu.dma_semaphore, #tpu.memory_space<semaphore_mem>>)
      %dma_wait3A = arith.constant 0 : i32
      %dma_wait3A_77 = tpu.memref_slice %arg8[%add3A_67, %dma_wait3A] : memref<5120x128xf32, #tpu.memory_space<vmem_shared>> -> memref<40x128xf32, #tpu.memory_space<vmem_shared>>
      %dma_wait3A_78 = arith.constant 0 : i32
      %dma_wait3A_79 = tpu.memref_slice %arg8[%add3A_67, %dma_wait3A_78] : memref<5120x128xf32, #tpu.memory_space<vmem_shared>> -> memref<40x128xf32, #tpu.memory_space<vmem_shared>>
      tpu.wait_dma2 semaphore(%run_scoped3A : memref<!tpu.dma_semaphore, #tpu.memory_space<semaphore_mem>>) src(%dma_wait3A_79 : memref<40x128xf32, #tpu.memory_space<vmem_shared>>) dst(%arg12 : memref<40x128xf32, #tpu.memory_space<vmem>>)
      tpu.yield
    }) : () -> ()
    "tpu.region"() ({
      %run_scoped3A = tpu.sem_alloc : memref<!tpu.dma_semaphore, #tpu.memory_space<semaphore_mem>>
      %dma_start3A = arith.constant 0 : i32
      %dma_start3A_74 = tpu.memref_slice %arg6[%add3A_69, %dma_start3A] : memref<10240x128xf32, #tpu.memory_space<hbm>> -> memref<40x128xf32, #tpu.memory_space<hbm>>
      %dma_start3A_75 = arith.constant 0 : i32
      %dma_start3A_76 = tpu.memref_slice %arg6[%add3A_69, %dma_start3A_75] : memref<10240x128xf32, #tpu.memory_space<hbm>> -> memref<40x128xf32, #tpu.memory_space<hbm>>
      tpu.enqueue_dma source(%arg12 : memref<40x128xf32, #tpu.memory_space<vmem>>) target(%dma_start3A_76 : memref<40x128xf32, #tpu.memory_space<hbm>>) target_semaphore(%run_scoped3A : memref<!tpu.dma_semaphore, #tpu.memory_space<semaphore_mem>>)
      %dma_wait3A = arith.constant 0 : i32
      %dma_wait3A_77 = tpu.memref_slice %arg6[%add3A_69, %dma_wait3A] : memref<10240x128xf32, #tpu.memory_space<hbm>> -> memref<40x128xf32, #tpu.memory_space<hbm>>
      %dma_wait3A_78 = arith.constant 0 : i32
      %dma_wait3A_79 = tpu.memref_slice %arg6[%add3A_69, %dma_wait3A_78] : memref<10240x128xf32, #tpu.memory_space<hbm>> -> memref<40x128xf32, #tpu.memory_space<hbm>>
      tpu.wait_dma2 semaphore(%run_scoped3A : memref<!tpu.dma_semaphore, #tpu.memory_space<semaphore_mem>>) src(%arg12 : memref<40x128xf32, #tpu.memory_space<vmem>>) dst(%dma_wait3A_79 : memref<40x128xf32, #tpu.memory_space<hbm>>)
      tpu.yield
    }) : () -> ()
    "tpu.region"() ({
      %run_scoped3A = tpu.sem_alloc : memref<!tpu.dma_semaphore, #tpu.memory_space<semaphore_mem>>
      %dma_start3A = arith.constant 0 : i32
      %dma_start3A_74 = tpu.memref_slice %arg9[%add3A_67, %dma_start3A] : memref<5120x16xf32, #tpu.memory_space<vmem_shared>> -> memref<40x16xf32, #tpu.memory_space<vmem_shared>>
      %dma_start3A_75 = arith.constant 0 : i32
      %dma_start3A_76 = tpu.memref_slice %arg9[%add3A_67, %dma_start3A_75] : memref<5120x16xf32, #tpu.memory_space<vmem_shared>> -> memref<40x16xf32, #tpu.memory_space<vmem_shared>>
      tpu.enqueue_dma source(%dma_start3A_76 : memref<40x16xf32, #tpu.memory_space<vmem_shared>>) target(%arg14 : memref<40x16xf32, #tpu.memory_space<vmem>>) target_semaphore(%run_scoped3A : memref<!tpu.dma_semaphore, #tpu.memory_space<semaphore_mem>>)
      %dma_wait3A = arith.constant 0 : i32
      %dma_wait3A_77 = tpu.memref_slice %arg9[%add3A_67, %dma_wait3A] : memref<5120x16xf32, #tpu.memory_space<vmem_shared>> -> memref<40x16xf32, #tpu.memory_space<vmem_shared>>
      %dma_wait3A_78 = arith.constant 0 : i32
      %dma_wait3A_79 = tpu.memref_slice %arg9[%add3A_67, %dma_wait3A_78] : memref<5120x16xf32, #tpu.memory_space<vmem_shared>> -> memref<40x16xf32, #tpu.memory_space<vmem_shared>>
      tpu.wait_dma2 semaphore(%run_scoped3A : memref<!tpu.dma_semaphore, #tpu.memory_space<semaphore_mem>>) src(%dma_wait3A_79 : memref<40x16xf32, #tpu.memory_space<vmem_shared>>) dst(%arg14 : memref<40x16xf32, #tpu.memory_space<vmem>>)
      tpu.yield
    }) : () -> ()
    "tpu.region"() ({
      %run_scoped3A = tpu.sem_alloc : memref<!tpu.dma_semaphore, #tpu.memory_space<semaphore_mem>>
      %dma_start3A = arith.constant 0 : i32
      %dma_start3A_74 = tpu.memref_slice %arg7[%add3A_69, %dma_start3A] : memref<10240x16xf32, #tpu.memory_space<hbm>> -> memref<40x16xf32, #tpu.memory_space<hbm>>
      %dma_start3A_75 = arith.constant 0 : i32
      %dma_start3A_76 = tpu.memref_slice %arg7[%add3A_69, %dma_start3A_75] : memref<10240x16xf32, #tpu.memory_space<hbm>> -> memref<40x16xf32, #tpu.memory_space<hbm>>
      tpu.enqueue_dma source(%arg14 : memref<40x16xf32, #tpu.memory_space<vmem>>) target(%dma_start3A_76 : memref<40x16xf32, #tpu.memory_space<hbm>>) target_semaphore(%run_scoped3A : memref<!tpu.dma_semaphore, #tpu.memory_space<semaphore_mem>>)
      %dma_wait3A = arith.constant 0 : i32
      %dma_wait3A_77 = tpu.memref_slice %arg7[%add3A_69, %dma_wait3A] : memref<10240x16xf32, #tpu.memory_space<hbm>> -> memref<40x16xf32, #tpu.memory_space<hbm>>
      %dma_wait3A_78 = arith.constant 0 : i32
      %dma_wait3A_79 = tpu.memref_slice %arg7[%add3A_69, %dma_wait3A_78] : memref<10240x16xf32, #tpu.memory_space<hbm>> -> memref<40x16xf32, #tpu.memory_space<hbm>>
      tpu.wait_dma2 semaphore(%run_scoped3A : memref<!tpu.dma_semaphore, #tpu.memory_space<semaphore_mem>>) src(%arg14 : memref<40x16xf32, #tpu.memory_space<vmem>>) dst(%dma_wait3A_79 : memref<40x16xf32, #tpu.memory_space<hbm>>)
      tpu.yield
    }) : () -> ()
    %add3A_70 = arith.constant 280 : i32
    %add3A_71 = arith.addi %mul3A_2, %add3A_70 : i32
    %add3A_72 = arith.constant 280 : i32
    %add3A_73 = arith.addi %add3A_41, %add3A_72 : i32
    "tpu.region"() ({
      %run_scoped3A = tpu.sem_alloc : memref<!tpu.dma_semaphore, #tpu.memory_space<semaphore_mem>>
      %dma_start3A = arith.constant 0 : i32
      %dma_start3A_74 = tpu.memref_slice %arg8[%add3A_71, %dma_start3A] : memref<5120x128xf32, #tpu.memory_space<vmem_shared>> -> memref<40x128xf32, #tpu.memory_space<vmem_shared>>
      %dma_start3A_75 = arith.constant 0 : i32
      %dma_start3A_76 = tpu.memref_slice %arg8[%add3A_71, %dma_start3A_75] : memref<5120x128xf32, #tpu.memory_space<vmem_shared>> -> memref<40x128xf32, #tpu.memory_space<vmem_shared>>
      tpu.enqueue_dma source(%dma_start3A_76 : memref<40x128xf32, #tpu.memory_space<vmem_shared>>) target(%arg12 : memref<40x128xf32, #tpu.memory_space<vmem>>) target_semaphore(%run_scoped3A : memref<!tpu.dma_semaphore, #tpu.memory_space<semaphore_mem>>)
      %dma_wait3A = arith.constant 0 : i32
      %dma_wait3A_77 = tpu.memref_slice %arg8[%add3A_71, %dma_wait3A] : memref<5120x128xf32, #tpu.memory_space<vmem_shared>> -> memref<40x128xf32, #tpu.memory_space<vmem_shared>>
      %dma_wait3A_78 = arith.constant 0 : i32
      %dma_wait3A_79 = tpu.memref_slice %arg8[%add3A_71, %dma_wait3A_78] : memref<5120x128xf32, #tpu.memory_space<vmem_shared>> -> memref<40x128xf32, #tpu.memory_space<vmem_shared>>
      tpu.wait_dma2 semaphore(%run_scoped3A : memref<!tpu.dma_semaphore, #tpu.memory_space<semaphore_mem>>) src(%dma_wait3A_79 : memref<40x128xf32, #tpu.memory_space<vmem_shared>>) dst(%arg12 : memref<40x128xf32, #tpu.memory_space<vmem>>)
      tpu.yield
    }) : () -> ()
    "tpu.region"() ({
      %run_scoped3A = tpu.sem_alloc : memref<!tpu.dma_semaphore, #tpu.memory_space<semaphore_mem>>
      %dma_start3A = arith.constant 0 : i32
      %dma_start3A_74 = tpu.memref_slice %arg6[%add3A_73, %dma_start3A] : memref<10240x128xf32, #tpu.memory_space<hbm>> -> memref<40x128xf32, #tpu.memory_space<hbm>>
      %dma_start3A_75 = arith.constant 0 : i32
      %dma_start3A_76 = tpu.memref_slice %arg6[%add3A_73, %dma_start3A_75] : memref<10240x128xf32, #tpu.memory_space<hbm>> -> memref<40x128xf32, #tpu.memory_space<hbm>>
      tpu.enqueue_dma source(%arg12 : memref<40x128xf32, #tpu.memory_space<vmem>>) target(%dma_start3A_76 : memref<40x128xf32, #tpu.memory_space<hbm>>) target_semaphore(%run_scoped3A : memref<!tpu.dma_semaphore, #tpu.memory_space<semaphore_mem>>)
      %dma_wait3A = arith.constant 0 : i32
      %dma_wait3A_77 = tpu.memref_slice %arg6[%add3A_73, %dma_wait3A] : memref<10240x128xf32, #tpu.memory_space<hbm>> -> memref<40x128xf32, #tpu.memory_space<hbm>>
      %dma_wait3A_78 = arith.constant 0 : i32
      %dma_wait3A_79 = tpu.memref_slice %arg6[%add3A_73, %dma_wait3A_78] : memref<10240x128xf32, #tpu.memory_space<hbm>> -> memref<40x128xf32, #tpu.memory_space<hbm>>
      tpu.wait_dma2 semaphore(%run_scoped3A : memref<!tpu.dma_semaphore, #tpu.memory_space<semaphore_mem>>) src(%arg12 : memref<40x128xf32, #tpu.memory_space<vmem>>) dst(%dma_wait3A_79 : memref<40x128xf32, #tpu.memory_space<hbm>>)
      tpu.yield
    }) : () -> ()
    "tpu.region"() ({
      %run_scoped3A = tpu.sem_alloc : memref<!tpu.dma_semaphore, #tpu.memory_space<semaphore_mem>>
      %dma_start3A = arith.constant 0 : i32
      %dma_start3A_74 = tpu.memref_slice %arg9[%add3A_71, %dma_start3A] : memref<5120x16xf32, #tpu.memory_space<vmem_shared>> -> memref<40x16xf32, #tpu.memory_space<vmem_shared>>
      %dma_start3A_75 = arith.constant 0 : i32
      %dma_start3A_76 = tpu.memref_slice %arg9[%add3A_71, %dma_start3A_75] : memref<5120x16xf32, #tpu.memory_space<vmem_shared>> -> memref<40x16xf32, #tpu.memory_space<vmem_shared>>
      tpu.enqueue_dma source(%dma_start3A_76 : memref<40x16xf32, #tpu.memory_space<vmem_shared>>) target(%arg14 : memref<40x16xf32, #tpu.memory_space<vmem>>) target_semaphore(%run_scoped3A : memref<!tpu.dma_semaphore, #tpu.memory_space<semaphore_mem>>)
      %dma_wait3A = arith.constant 0 : i32
      %dma_wait3A_77 = tpu.memref_slice %arg9[%add3A_71, %dma_wait3A] : memref<5120x16xf32, #tpu.memory_space<vmem_shared>> -> memref<40x16xf32, #tpu.memory_space<vmem_shared>>
      %dma_wait3A_78 = arith.constant 0 : i32
      %dma_wait3A_79 = tpu.memref_slice %arg9[%add3A_71, %dma_wait3A_78] : memref<5120x16xf32, #tpu.memory_space<vmem_shared>> -> memref<40x16xf32, #tpu.memory_space<vmem_shared>>
      tpu.wait_dma2 semaphore(%run_scoped3A : memref<!tpu.dma_semaphore, #tpu.memory_space<semaphore_mem>>) src(%dma_wait3A_79 : memref<40x16xf32, #tpu.memory_space<vmem_shared>>) dst(%arg14 : memref<40x16xf32, #tpu.memory_space<vmem>>)
      tpu.yield
    }) : () -> ()
    "tpu.region"() ({
      %run_scoped3A = tpu.sem_alloc : memref<!tpu.dma_semaphore, #tpu.memory_space<semaphore_mem>>
      %dma_start3A = arith.constant 0 : i32
      %dma_start3A_74 = tpu.memref_slice %arg7[%add3A_73, %dma_start3A] : memref<10240x16xf32, #tpu.memory_space<hbm>> -> memref<40x16xf32, #tpu.memory_space<hbm>>
      %dma_start3A_75 = arith.constant 0 : i32
      %dma_start3A_76 = tpu.memref_slice %arg7[%add3A_73, %dma_start3A_75] : memref<10240x16xf32, #tpu.memory_space<hbm>> -> memref<40x16xf32, #tpu.memory_space<hbm>>
      tpu.enqueue_dma source(%arg14 : memref<40x16xf32, #tpu.memory_space<vmem>>) target(%dma_start3A_76 : memref<40x16xf32, #tpu.memory_space<hbm>>) target_semaphore(%run_scoped3A : memref<!tpu.dma_semaphore, #tpu.memory_space<semaphore_mem>>)
      %dma_wait3A = arith.constant 0 : i32
      %dma_wait3A_77 = tpu.memref_slice %arg7[%add3A_73, %dma_wait3A] : memref<10240x16xf32, #tpu.memory_space<hbm>> -> memref<40x16xf32, #tpu.memory_space<hbm>>
      %dma_wait3A_78 = arith.constant 0 : i32
      %dma_wait3A_79 = tpu.memref_slice %arg7[%add3A_73, %dma_wait3A_78] : memref<10240x16xf32, #tpu.memory_space<hbm>> -> memref<40x16xf32, #tpu.memory_space<hbm>>
      tpu.wait_dma2 semaphore(%run_scoped3A : memref<!tpu.dma_semaphore, #tpu.memory_space<semaphore_mem>>) src(%arg14 : memref<40x16xf32, #tpu.memory_space<vmem>>) dst(%dma_wait3A_79 : memref<40x16xf32, #tpu.memory_space<hbm>>)
      tpu.yield
    }) : () -> ()
    return
  }
}

</mosaic_0001>

<sc_bundles>
// kernel: kernel.3.cloned.1.call-start
scs
__scs_entry_jumppad:
0x0: {  	(pc) =	sbr.rel $0x88, $3  }
0x1: {  	(tag) =	ssettag $0x0;
	lr =	simm.s32 $0x1  }
0x2: {  	[smem:$0x3F9C] =	sst lr;
	_ =	strace $0xD0000000  }
0x3: {  	_ = 	snop  }
0x4: {  	_ = 	snop  }
0x5: {  	_ = 	snop  }
0x6: {  	_ = 	snop  }
0x7: {  	_ = 	snop  }
__scs_overlays_trampoline_lowered:
0x8: {  	[smem:$0x3FAB] =	sst s0  }
0x9: {  	[smem:$0x3FAC] =	sst s1  }
0xa: {  	[smem:$0x3FAD] =	sst s2  }
0xb: {  	[smem:$0x3FAE] =	sst s3  }
0xc: {  	[smem:$0x3FAF] =	sst s4  }
0xd: {  	[smem:$0x3FB0] =	sst s5  }
0xe: {  	[smem:$0x3FB1] =	sst s6  }
0xf: {  	[smem:$0x3FB2] =	sst s7  }
0x10: {  	[smem:$0x3FB3] =	sst s8  }
0x11: {  	[smem:$0x3FB4] =	sst s9;
	s0 =	simm.s32 @!p0 $0x0  }
0x12: {  	s1 =	sld [smem:$0x3F9A];
	s0 =	simm.s32 @p0 $0x1  }
0x13: {  	[smem:$0x3FB5] =	sst s0;
	s0 =	simm.s32 @!p1 $0x0  }
0x14: {  	s2 =	sld [smem:$0x3F99];
	s0 =	simm.s32 @p1 $0x1  }
0x15: {  	[smem:$0x3FB6] =	sst s0;
	s0 =	simm.s32 @!p2 $0x0  }
0x16: {  	s3 =	sld [smem:$0x3FDB];
	s0 =	simm.s32 @p2 $0x1  }
0x17: {  	s4 =	simm.s32 $0x1BF5;
	[smem:$0x3FB8] =	sst s0  }
0x18: {  	s0 =	sld [smem:$0x3F9B];
	_ =	swait.ge [sflag:s4], $0x0  }
0x19: {  	s7 =	sld [smem:$0x3F9C]  }
0x1a: {  	s8 =	sadd.s32 $0xFFFFE003, lr  }
0x1b: {  	s9 =	sadd.s32 $0xFFFFFEF7, lr;
	s5 =	simm.s32 $0xFFFFFFFF;
	p2 =	slt.u32 s8, $0xFFFFF086  }
0x1c: {  	p1 =	slt.u32 s9, $0xF7A;
	s5 =	simm.s32 @!p2 $0x0  }
0x1d: {  	s5 =	simm.s32 @p1 $0x1;
	p0 =	seq.s32 s7, s2  }
0x1e: {  	s7 =	smul.u32 @!p0 $0xF7A, s2;
	p2 =	seq.s32 @!p0 s5, $0x0  }
0x1f: {  	s9 =	smul.u32 $0xF7A, s1;
	s8 =	simm.s32 @!p0 $0x1BF5;
	p2 =	por !p2, p0  }
0x20: {  	[sflag:s8] =	ssyncset.s32 @!p0 $0xFFFFF086;
	s6 =	sadd.s32 @!p0 s3, s7;
	s7 =	simm.s32 @!p0 $0x108  }
0x21: {  	s3 =	sadd.s32 s3, s9;
	s6 =	sadd.s32 @!p0 $0x88, s6;
	s7 =	simm.s32 @p2 $0x1082  }
0x22: {  	[simem:s7], [sflag:s8] =	dma.local @!p0 [hbm:s6], $0xF7A  }
0x23: {  	s9 =	sor.u32 $0xD0000000, s2;
	s6 =	simm.s32 $0x108;
	_ =	swait.ge @!p0 [sflag:s8], $0x0  }
0x24: {  	s3 =	sadd.s32 $0x88, s3;
	s6 =	simm.s32 @!p1 $0x1082;
	[sflag:s4] =	ssyncset.s32 $0xFFFFF086  }
0x25: {  	[simem:s6], [sflag:s4] =	dma.local [hbm:s3], $0xF7A  }
0x26: {  	[smem:$0x3F9C] =	sst s1;
	(tag) =	ssettag s2;
	_ =	strace s9  }
0x27: {  	s1 =	sld [smem:$0x3FAC]  }
0x28: {  	s2 =	sld [smem:$0x3FAD]  }
0x29: {  	s4 =	sld [smem:$0x3FAF]  }
0x2a: {  	p0 =	seq.s32 s5, $0x0;
	s5 =	sld [smem:$0x3FB0]  }
0x2b: {  	s6 =	sld [smem:$0x3FB1]  }
0x2c: {  	s7 =	sld [smem:$0x3FB2]  }
0x2d: {  	s3 =	simm.s32 $0x108;
	s8 =	sld [smem:$0x3FB3]  }
0x2e: {  	s3 =	simm.s32 @!p0 $0x1082;
	s9 =	sld [smem:$0x3FB4]  }
0x2f: {  	lr =	sadd.s32 s0, s3;
	s0 =	sld [smem:$0x3FAB]  }
0x30: {  	s3 =	sld [smem:$0x3FAE]  }
0x31: {  	[smem:$0x3FB7] =	sst s10  }
0x32: {  	s10 =	sld [smem:$0x3FB5];
	_ =	sdelay $0x3  }
0x33: {  	p0 =	seq.s32 s10, $0x1;
	s10 =	sld [smem:$0x3FB7];
	_ =	sdelay $0x3  }
0x34: {  	[smem:$0x3FB7] =	sst s10  }
0x35: {  	s10 =	sld [smem:$0x3FB6];
	_ =	sdelay $0x3  }
0x36: {  	p1 =	seq.s32 s10, $0x1;
	s10 =	sld [smem:$0x3FB7];
	_ =	sdelay $0x3  }
0x37: {  	[smem:$0x3FB7] =	sst s10  }
0x38: {  	s10 =	sld [smem:$0x3FB8]  }
0x39: {  	_ = 	snop;
	(pc) =	sbr.ind lr, $3  }
0x3a: {  	_ = 	snop  }
0x3b: {  	_ = 	snop  }
0x3c: {  	p2 =	seq.s32 s10, $0x1;
	s10 =	sld [smem:$0x3FB7]  }
0x3d: {  	_ =	shalt  }
0x3e: {  	_ =	shalt  }
0x3f: {  	_ =	shalt  }
0x40: {  	_ =	shalt  }
0x41: {  	_ =	shalt  }
0x42: {  	_ =	shalt  }
0x43: {  	_ =	shalt  }
0x44: {  	_ =	shalt  }
0x45: {  	_ =	shalt  }
0x46: {  	_ =	shalt  }
0x47: {  	_ =	shalt  }
0x48: {  	_ =	shalt  }
0x49: {  	_ =	shalt  }
0x4a: {  	_ =	shalt  }
0x4b: {  	_ =	shalt  }
0x4c: {  	_ =	shalt  }
0x4d: {  	_ =	shalt  }
0x4e: {  	_ =	shalt  }
0x4f: {  	_ =	shalt  }
0x50: {  	_ =	shalt  }
0x51: {  	_ =	shalt  }
0x52: {  	_ =	shalt  }
0x53: {  	_ =	shalt  }
0x54: {  	_ =	shalt  }
0x55: {  	_ =	shalt  }
0x56: {  	_ =	shalt  }
0x57: {  	_ =	shalt  }
0x58: {  	_ =	shalt  }
0x59: {  	_ =	shalt  }
0x5a: {  	_ =	shalt  }
0x5b: {  	_ =	shalt  }
0x5c: {  	_ =	shalt  }
0x5d: {  	_ =	shalt  }
0x5e: {  	_ =	shalt  }
0x5f: {  	_ =	shalt  }
0x60: {  	_ =	shalt  }
0x61: {  	_ =	shalt  }
0x62: {  	_ =	shalt  }
0x63: {  	_ =	shalt  }
0x64: {  	_ =	shalt  }
0x65: {  	_ =	shalt  }
0x66: {  	_ =	shalt  }
0x67: {  	_ =	shalt  }
0x68: {  	_ =	shalt  }
0x69: {  	_ =	shalt  }
0x6a: {  	_ =	shalt  }
0x6b: {  	_ =	shalt  }
0x6c: {  	_ =	shalt  }
0x6d: {  	_ =	shalt  }
0x6e: {  	_ =	shalt  }
0x6f: {  	_ =	shalt  }
0x70: {  	_ =	shalt  }
0x71: {  	_ =	shalt  }
0x72: {  	_ =	shalt  }
0x73: {  	_ =	shalt  }
0x74: {  	_ =	shalt  }
0x75: {  	_ =	shalt  }
0x76: {  	_ =	shalt  }
0x77: {  	_ =	shalt  }
0x78: {  	_ =	shalt  }
0x79: {  	_ =	shalt  }
0x7a: {  	_ =	shalt  }
0x7b: {  	_ =	shalt  }
0x7c: {  	_ =	shalt  }
0x7d: {  	_ =	shalt  }
0x7e: {  	_ =	shalt  }
0x7f: {  	_ =	shalt  }
0x80: {  	_ =	shalt  }
0x81: {  	_ =	shalt  }
0x82: {  	_ =	shalt  }
0x83: {  	_ =	shalt  }
0x84: {  	_ =	shalt  }
0x85: {  	_ =	shalt  }
0x86: {  	_ =	shalt  }
0x87: {  	_ =	shalt  }
.Lfunc_end0:
.L_simem_size_0:
called_computation_lowered:
.L_overlay_start_0:
0x88: {  	s2 =	sld [smem:$0x3FD9]  }
0x89: {  	s3 =	sld [smem:$0x3FFE];
	_ =	sdelay $0x1  }
0x8a: {  	s1 =	srdreg.scid  }
0x8b: {  	s0 =	sand.u32 $0x1, s1  }
0x8c: {  	s17 =	sshll.u32 s0, $0xA;
	s2 =	sadd.s32 s3, s2  }
0x8d: {  	s2 =	sadd.s32 s2, s17  }
0x8e: {  	[smem:$0x3FC3] =	sst s2  }
0x8f: {  	_ = 	snop  }
0x90: {  	s2 =	sld [smem:$0x3FC9]  }
0x91: {  	s18 =	sld [smem:$0x3FC8]  }
0x92: {  	s4 =	sld [smem:$0x3FD0];
	(tm) =	ssettm $0x1  }
0x93: {  	s5 =	sld [smem:$0x3FFB];
	_ =	sdelay $0x3  }
0x94: {  	_ =	strace s5  }
0x95: {  	s5 =	sld [smem:$0x3FFC];
	_ =	sdelay $0x3  }
0x96: {  	_ =	strace s5  }
0x97: {  	s5 =	sld [smem:$0x3FFD];
	_ =	sdelay $0x3  }
0x98: {  	_ =	strace s5  }
0x99: {  	_ =	strace $0x8FFFFFFF  }
0x9a: {  	s19 =	sld [smem:$0x3FDB];
	_ =	sdelay $0x1  }
0x9b: {  	s6 =	simm.s32 $_scs_section_size  }
0x9c: {  	s7 =	simm.s32 $_size__tile_overlayer_lowered;
	s8 =	simm.s32 $_tile_overlayer_lowered  }
0x9d: {  	s22 =	simm.s32 $0x1BFF;
	s21 =	sshll.u32 s8, $0x1;
	s5 =	sadd.s32 s6, s19  }
0x9e: {  	s9 =	simm.s32 $0x0;
	s20 =	sshll.u32 s7, $0x1;
	s7 =	sadd.s32 s21, s5  }
0x9f: {  	[timem:s9], [sflag:s22] =	dma.local [hbm:s7], s20  }
0xa0: {  	_ =	swait.ge [sflag:s22], s20  }
0xa1: {  	s6 =	ssub.s32 $0x0, s20;
	[sflag:s22] =	ssyncset.done $0x0  }
0xa2: {  	[sflag:s22] =	ssyncadd.s32 s6;
	_ =	sdelay $0x1  }
0xa3: {  	s23 =	simm.s32 $0x1B8B  }
0xa4: {  	_ =	swait.ge [sflag:s23], $0x1  }
0xa5: {  	[sflag:s23] =	ssyncset.done $0x0  }
0xa6: {  	s25 =	simm.s32 $0x1B8E;
	s24 =	sld [smem:$0x3FFE];
	[sflag:s23] =	ssyncadd.s32 $0xFFFFFFFF  }
0xa7: {  	s26 =	simm.s32 $execute0_lowered;
	[smem:$0x3FD2] =	sst s25  }
0xa8: {  	s7 =	sshll.u32 s26, $0x1;
	_ =	strace $0x80000046;
	[dreg:$0x1] =	wrdreg $0xFFFFFFFF  }
0xa9: {  	s28 =	simm.s32 $_size_execute0_lowered;
	s5 =	sadd.s32 s5, s7;
	[dreg:$0x0] =	wrdreg $0x0  }
0xaa: {  	s7 =	sshll.u32 s28, $0x1;
	[dreg:$0x2] =	wrdreg s5  }
0xab: {  	[dreg:$0x3] =	wrdreg s7  }
0xac: {  	[dreg:$0x4] =	wrdreg $0xC0  }
0xad: {  	_ =	task [dreg:s9], $0x5FFFF  }
0xae: {  	[dreg:$0x1] =	wrdreg $0xFFFFFFFF  }
0xaf: {  	[dreg:$0x0] =	wrdreg $0x60  }
0xb0: {  	[dreg:$0x2] =	wrdreg s2  }
0xb1: {  	[dreg:$0x3] =	wrdreg s18  }
0xb2: {  	[dreg:$0x4] =	wrdreg s4  }
0xb3: {  	[dreg:$0x5] =	wrdreg s24  }
0xb4: {  	[dreg:$0x6] =	wrdreg $0x0  }
0xb5: {  	[dreg:$0x7] =	wrdreg $0xA0000  }
0xb6: {  	[dreg:$0x8] =	wrdreg $0x9  }
0xb7: {  	_ =	task.clear_ibuf [dreg:s9], $0x9FFFF;
	_ =	strace $0x90000046  }
0xb8: {  	s29 =	simm.s32 $0x9;
	_ =	strace $0x80000048  }
0xb9: {  	_ =	swait.ge [sflag:s29], $0x1  }
0xba: {  	[sflag:s29] =	ssyncadd.s32 $0xFFFFFFFF  }
0xbb: {  	_ =	strace $0x90000048  }
0xbc: {  	_ =	sfence  }
0xbd: {  	s30 =	sld [smem:$0x0];
	_ =	sdelay $0x2  }
0xbe: {  	s31 =	sshll.u32 s1, $0xD;
	s1 =	sshrl.u32 s1, $0x2  }
0xbf: {  	s3 =	sand.u32 $0x4000, s31;
	s1 =	sadd.s32 s1, s30  }
0xc0: {  	s0 =	sor.u32 s3, s0;
	s1 =	sshll.u32 s1, $0x11  }
0xc1: {  	s0 =	sor.u32 s1, s0  }
0xc2: {  	s0 =	sadd.s32 $0x8F2B, s0  }
0xc3: {  	[sflag:s0] =	ssyncadd.remote.s32 $0x1  }
0xc4: {  	_ =	sfence.sel $0xFFFF  }
0xc5: {  	[dreg:$0x0] =	wrdreg $0xFFFFFFFF;
	(pc) =	sbr.abs _section_cstart, $3  }
0xc6: {  	[dreg:$0x1] =	wrdreg $0xFFFFFFFF  }
0xc7: {  	_ =	task.clear_ibuf [dreg:s9], $0x2FFFF;
	_ =	strace $0x9FFFFFFF  }
0xc8: {  	(tm) =	ssettm $0x7FFFFFFF  }
0xc9: {  	_ =	shalt  }
tec
execute0_lowered:
.L_overlay_start_1:
0x0: {  	(tag) =	ssettag $0x1  }
0x1: {  	s0 =	rddreg [dreg:$0x0]  }
0x2: {  	s1 =	rddreg [dreg:$0x1]  }
0x3: {  	s2 =	rddreg [dreg:$0x2]  }
0x4: {  	s4 =	rddreg [dreg:$0x3]  }
0x5: {  	s3 =	srdreg.scid;
	s15 =	stileid.u32  }
0x6: {  	s5 =	rddreg [dreg:$0x4];
	s3 =	sand.u32 $0x1, s3;
	s8 =	smul.u32 $0x140, s15  }
0x7: {  	s6 =	rddreg [dreg:$0x5];
	s7 =	simm.s32 $0x0;
	s9 =	smul.u32 $0x1400, s3  }
0x8: {  	[smem:$0x7FF] =	sst s7;
	s10 =	sadd.s32 $0x31E00, s4;
	s11 =	sadd.s32 $0x9E00, s4  }
0x9: {  	s14 =	sshll.u32 s15, $0x1;
	s12 =	ssub.s32 $0x2, s3;
	s8 =	sadd.s32 s8, s9  }
0xa: {  	s16 =	sor.u32 s3, s14;
	s13 =	sshrl.u32 s12, $0x1;
	s14 =	sshll.u32 s8, $0x4  }
0xb: {  	s16 =	smul.u32 $0x2710, s16;
	s17 =	ssub.s32 s12, s13;
	s8 =	sadd.s32 s10, s14  }
0xc: {  	s18 =	sadd.s32 s11, s14;
	s19 =	sor.u32 $0x280, s14;
	[dreg:$0x7] =	wrdreg s8  }
0xd: {  	s13 =	smul.u32 $0xA000, s15;
	[dreg:$0x8] =	wrdreg s18;
	s20 =	sadd.s32 s10, s19  }
0xe: {  	s21 =	sadd.s32 $0x500, s14;
	s8 =	sadd.s32 s11, s19;
	[dreg:$0x9] =	wrdreg s20  }
0xf: {  	s23 =	sadd.s32 $0x780, s14;
	s22 =	sadd.s32 s10, s21;
	[dreg:$0xa] =	wrdreg s8  }
0x10: {  	s25 =	sadd.s32 $0xA00, s14;
	s24 =	sadd.s32 s10, s23;
	[dreg:$0xb] =	wrdreg s22  }
0x11: {  	s28 =	sadd.s32 $0xC80, s14;
	s26 =	sadd.s32 s10, s25;
	[dreg:$0xd] =	wrdreg s24  }
0x12: {  	s12 =	sadd.s32 $0xF00, s14;
	s29 =	sadd.s32 s10, s28;
	[dreg:$0xf] =	wrdreg s26  }
0x13: {  	s3 =	sadd.s32 $0x1180, s14;
	s14 =	sadd.s32 s10, s12;
	[dreg:$0x11] =	wrdreg s29  }
0x14: {  	s15 =	sadd.s32 s10, s3;
	s3 =	sadd.s32 s11, s3;
	[dreg:$0x13] =	wrdreg s14  }
0x15: {  	s18 =	sor.u32 $0x1400, s13;
	s19 =	sadd.s32 $0x2800, s13;
	[dreg:$0x15] =	wrdreg s15  }
0x16: {  	s10 =	sadd.s32 s13, s5;
	s8 =	sadd.s32 s11, s21;
	[dreg:$0x16] =	wrdreg s3  }
0x17: {  	s30 =	sadd.s32 s18, s5;
	s31 =	sadd.s32 s18, s6;
	s20 =	sadd.s32 s19, s5  }
0x18: {  	s3 =	sadd.s32 s19, s6;
	s21 =	sadd.s32 $0x3C00, s13;
	s15 =	sadd.s32 $0x8C00, s13  }
0x19: {  	s29 =	smax.u32 s17, $0x1;
	s18 =	simm.s32 $0xB500;
	s19 =	simm.s32 $0x2  }
0x1a: {  	s17 =	simm.s32 $0x1;
	[dreg:$0xc] =	wrdreg s8;
	s8 =	sadd.s32 s11, s23  }
0x1b: {  	s22 =	sadd.s32 s21, s5;
	[dreg:$0xe] =	wrdreg s8;
	s8 =	sadd.s32 s11, s25  }
0x1c: {  	s23 =	sadd.s32 $0x5000, s13;
	[dreg:$0x10] =	wrdreg s8;
	s8 =	sadd.s32 s11, s28  }
0x1d: {  	s14 =	sadd.s32 s15, s5;
	[dreg:$0x12] =	wrdreg s8;
	s8 =	sadd.s32 s11, s12  }
0x1e: {  	s15 =	sadd.s32 s15, s6;
	s24 =	sadd.s32 s23, s5;
	[dreg:$0x14] =	wrdreg s8  }
0x1f: {  	s25 =	sadd.s32 $0x6400, s13;
	_ =	strace $0x80000047;
	[dreg:$0x17] =	wrdreg s20  }
0x20: {  	s26 =	sadd.s32 s25, s5;
	s9 =	sadd.s32 s25, s6;
	[dreg:$0x18] =	wrdreg s3  }
0x21: {  	s28 =	sadd.s32 $0x7800, s13;
	s25 =	simm.s32 $0xC900;
	[dreg:$0x19] =	wrdreg s22  }
0x22: {  	s11 =	sadd.s32 s13, s6;
	s12 =	sadd.s32 s28, s5;
	[dreg:$0x1b] =	wrdreg s24  }
0x23: {  	s13 =	sadd.s32 s28, s6;
	s3 =	sadd.s32 s21, s6;
	[dreg:$0x1d] =	wrdreg s26  }
0x24: {  	[dreg:$0x1e] =	wrdreg s29;
	s21 =	simm.s32 $0xDD00;
	s22 =	simm.s32 $0xB400  }
0x25: {  	s24 =	simm.s32 $0x28;
	[dreg:$0x1a] =	wrdreg s3;
	s3 =	sadd.s32 s23, s6  }
0x26: {  	v0 =	vimm.f32 $0.0e+00;
	v1 =	vimm.f32 $1.000000000e+00;
	s26 =	simm.s32 $0x0;
	s23 =	simm.s32 $0xB480;
	[dreg:$0x1c] =	wrdreg s3  }
.LBB2_1:
0x27: {  	s28 =	simm.s32 $0x0;
	s29 =	simm.s32 $0x200  }
.LBB2_2:
0x28: {  	p0 =	sne.s32 s29, $0x4E00;
	[tilespmem:s28+$0xDD00] =	vst v0  }
0x29: {  	[tilespmem:s28+$0xB500] =	vst v0  }
0x2a: {  	[tilespmem:s28+$0xB510] =	vst v0  }
0x2b: {  	[tilespmem:s28+$0xB520] =	vst v0  }
.Ltmp0:
0x2c: {  	[tilespmem:s28+$0xB530] =	vst v0;
	(pc) =	sbr.rel @p0 .LBB2_2-.Ltmp0, $4  }
0x2d: {  	[tilespmem:s28+$0xB540] =	vst v0  }
0x2e: {  	[tilespmem:s28+$0xB550] =	vst v0  }
0x2f: {  	[tilespmem:s28+$0xB560] =	vst v0  }
0x30: {  	[tilespmem:s28+$0xB570] =	vst v0;
	s28 =	sshra.s32 s29, $0x2;
	s29 =	sadd.s32 $0x200, s29  }
0x31: {  	[tilespmem:s28+$0xDD00] =	vst v0  }
0x32: {  	[tilespmem:s28+$0xB500] =	vst v0  }
0x33: {  	[tilespmem:s28+$0xB510] =	vst v0  }
0x34: {  	[tilespmem:s28+$0xB520] =	vst v0  }
0x35: {  	[tilespmem:s28+$0xB530] =	vst v0  }
0x36: {  	[tilespmem:s28+$0xB540] =	vst v0  }
0x37: {  	[tilespmem:s28+$0xB550] =	vst v0  }
0x38: {  	[tilespmem:s28+$0xB560] =	vst v0  }
0x39: {  	[tilespmem:s28+$0xB570] =	vst v0  }
0x3a: {  	[spmem:s10] =	stream.linear.scatter [tilespmem:s18], [sflag:$0x2], $0x1400, $0x38;
	[tilespmem:$0xF100] =	vst v63  }
0x3b: {  	_ =	swait.ge [sflag:s19], $0x1400  }
0x3c: {  	[sflag:s19] =	ssyncset.done $0x0  }
0x3d: {  	[sflag:s19] =	ssyncadd.s32 $0xFFFFEC00  }
0x3e: {  	[spmem:s11] =	stream.linear.scatter [tilespmem:s21], [sflag:$0x2], $0x1400, $0x38;
	[tilespmem:$0xF100] =	vst v63  }
0x3f: {  	_ =	swait.ge [sflag:s19], $0x1400  }
0x40: {  	[sflag:s19] =	ssyncset.done $0x0  }
0x41: {  	[sflag:s19] =	ssyncadd.s32 $0xFFFFEC00  }
0x42: {  	[spmem:s30] =	stream.linear.scatter [tilespmem:s18], [sflag:$0x2], $0x1400, $0x38;
	[tilespmem:$0xF100] =	vst v63  }
0x43: {  	_ =	swait.ge [sflag:s19], $0x1400  }
0x44: {  	[sflag:s19] =	ssyncset.done $0x0  }
0x45: {  	[sflag:s19] =	ssyncadd.s32 $0xFFFFEC00  }
0x46: {  	[spmem:s31] =	stream.linear.scatter [tilespmem:s21], [sflag:$0x2], $0x1400, $0x38;
	[tilespmem:$0xF100] =	vst v63  }
0x47: {  	_ =	swait.ge [sflag:s19], $0x1400  }
0x48: {  	[sflag:s19] =	ssyncset.done $0x0  }
0x49: {  	s20 =	rddreg [dreg:$0x17];
	[sflag:s19] =	ssyncadd.s32 $0xFFFFEC00  }
0x4a: {  	[spmem:s20] =	stream.linear.scatter [tilespmem:s18], [sflag:$0x2], $0x1400, $0x38;
	[tilespmem:$0xF100] =	vst v63  }
0x4b: {  	_ =	swait.ge [sflag:s19], $0x1400  }
0x4c: {  	[sflag:s19] =	ssyncset.done $0x0  }
0x4d: {  	s3 =	smov.u32 s30;
	s30 =	rddreg [dreg:$0x18];
	[sflag:s19] =	ssyncadd.s32 $0xFFFFEC00  }
0x4e: {  	[spmem:s30] =	stream.linear.scatter [tilespmem:s21], [sflag:$0x2], $0x1400, $0x38;
	[tilespmem:$0xF100] =	vst v63  }
0x4f: {  	_ =	swait.ge [sflag:s19], $0x1400  }
0x50: {  	[sflag:s19] =	ssyncset.done $0x0  }
0x51: {  	s8 =	smov.u32 s31;
	s31 =	rddreg [dreg:$0x19];
	[sflag:s19] =	ssyncadd.s32 $0xFFFFEC00  }
0x52: {  	[spmem:s31] =	stream.linear.scatter [tilespmem:s18], [sflag:$0x2], $0x1400, $0x38;
	[tilespmem:$0xF100] =	vst v63  }
0x53: {  	_ =	swait.ge [sflag:s19], $0x1400  }
0x54: {  	[sflag:s19] =	ssyncset.done $0x0  }
0x55: {  	s30 =	rddreg [dreg:$0x1a];
	[sflag:s19] =	ssyncadd.s32 $0xFFFFEC00  }
0x56: {  	[spmem:s30] =	stream.linear.scatter [tilespmem:s21], [sflag:$0x2], $0x1400, $0x38;
	[tilespmem:$0xF100] =	vst v63  }
0x57: {  	_ =	swait.ge [sflag:s19], $0x1400  }
0x58: {  	[sflag:s19] =	ssyncset.done $0x0  }
0x59: {  	s31 =	rddreg [dreg:$0x1b];
	[sflag:s19] =	ssyncadd.s32 $0xFFFFEC00  }
0x5a: {  	[spmem:s31] =	stream.linear.scatter [tilespmem:s18], [sflag:$0x2], $0x1400, $0x38;
	[tilespmem:$0xF100] =	vst v63  }
0x5b: {  	_ =	swait.ge [sflag:s19], $0x1400  }
0x5c: {  	[sflag:s19] =	ssyncset.done $0x0  }
0x5d: {  	s30 =	rddreg [dreg:$0x1c];
	[sflag:s19] =	ssyncadd.s32 $0xFFFFEC00  }
0x5e: {  	[spmem:s30] =	stream.linear.scatter [tilespmem:s21], [sflag:$0x2], $0x1400, $0x38;
	[tilespmem:$0xF100] =	vst v63  }
0x5f: {  	_ =	swait.ge [sflag:s19], $0x1400  }
0x60: {  	[sflag:s19] =	ssyncset.done $0x0  }
0x61: {  	s31 =	rddreg [dreg:$0x1d];
	[sflag:s19] =	ssyncadd.s32 $0xFFFFEC00  }
0x62: {  	[spmem:s31] =	stream.linear.scatter [tilespmem:s18], [sflag:$0x2], $0x1400, $0x38;
	[tilespmem:$0xF100] =	vst v63  }
0x63: {  	_ =	swait.ge [sflag:s19], $0x1400  }
0x64: {  	[sflag:s19] =	ssyncset.done $0x0  }
0x65: {  	[sflag:s19] =	ssyncadd.s32 $0xFFFFEC00  }
0x66: {  	[spmem:s9] =	stream.linear.scatter [tilespmem:s21], [sflag:$0x2], $0x1400, $0x38;
	[tilespmem:$0xF100] =	vst v63  }
0x67: {  	_ =	swait.ge [sflag:s19], $0x1400  }
0x68: {  	[sflag:s19] =	ssyncset.done $0x0  }
0x69: {  	[sflag:s19] =	ssyncadd.s32 $0xFFFFEC00  }
0x6a: {  	[spmem:s12] =	stream.linear.scatter [tilespmem:s18], [sflag:$0x2], $0x1400, $0x38;
	[tilespmem:$0xF100] =	vst v63  }
0x6b: {  	_ =	swait.ge [sflag:s19], $0x1400  }
0x6c: {  	[sflag:s19] =	ssyncset.done $0x0  }
0x6d: {  	[sflag:s19] =	ssyncadd.s32 $0xFFFFEC00  }
0x6e: {  	[spmem:s13] =	stream.linear.scatter [tilespmem:s21], [sflag:$0x2], $0x1400, $0x38;
	[tilespmem:$0xF100] =	vst v63  }
0x6f: {  	_ =	swait.ge [sflag:s19], $0x1400  }
0x70: {  	[sflag:s19] =	ssyncset.done $0x0  }
0x71: {  	[sflag:s19] =	ssyncadd.s32 $0xFFFFEC00  }
0x72: {  	[spmem:s14] =	stream.linear.scatter [tilespmem:s18], [sflag:$0x2], $0x1400, $0x38;
	[tilespmem:$0xF100] =	vst v63  }
0x73: {  	_ =	swait.ge [sflag:s19], $0x1400  }
0x74: {  	[sflag:s19] =	ssyncset.done $0x0  }
0x75: {  	[sflag:s19] =	ssyncadd.s32 $0xFFFFEC00  }
0x76: {  	[spmem:s15] =	stream.linear.scatter [tilespmem:s21], [sflag:$0x2], $0x1400, $0x38;
	[tilespmem:$0xF100] =	vst v63  }
0x77: {  	_ =	swait.ge [sflag:s19], $0x1400  }
0x78: {  	[sflag:s19] =	ssyncset.done $0x0  }
0x79: {  	[sflag:s19] =	ssyncadd.s32 $0xFFFFEC00  }
0x7a: {  	[tilespmem:$0xDD00] =	vst v1  }
0x7b: {  	[tilespmem:$0xDD80] =	vst v1  }
0x7c: {  	[tilespmem:$0xDE00] =	vst v1  }
0x7d: {  	[tilespmem:$0xDE80] =	vst v1  }
0x7e: {  	[tilespmem:$0xDF00] =	vst v1  }
0x7f: {  	[tilespmem:$0xDF80] =	vst v1  }
0x80: {  	[tilespmem:$0xE000] =	vst v1  }
0x81: {  	[tilespmem:$0xE080] =	vst v1  }
0x82: {  	[tilespmem:$0xE100] =	vst v1  }
0x83: {  	[tilespmem:$0xE180] =	vst v1  }
0x84: {  	[tilespmem:$0xE200] =	vst v1  }
0x85: {  	[tilespmem:$0xE280] =	vst v1  }
0x86: {  	[tilespmem:$0xE300] =	vst v1  }
0x87: {  	[tilespmem:$0xE380] =	vst v1  }
0x88: {  	[tilespmem:$0xE400] =	vst v1  }
0x89: {  	[tilespmem:$0xE480] =	vst v1  }
0x8a: {  	[tilespmem:$0xE500] =	vst v1  }
0x8b: {  	[tilespmem:$0xE580] =	vst v1  }
0x8c: {  	[tilespmem:$0xE600] =	vst v1  }
0x8d: {  	[tilespmem:$0xE680] =	vst v1  }
0x8e: {  	[tilespmem:$0xE700] =	vst v1  }
0x8f: {  	[tilespmem:$0xE780] =	vst v1  }
0x90: {  	[tilespmem:$0xE800] =	vst v1  }
0x91: {  	[tilespmem:$0xE880] =	vst v1  }
0x92: {  	[tilespmem:$0xE900] =	vst v1  }
0x93: {  	[tilespmem:$0xE980] =	vst v1  }
0x94: {  	[tilespmem:$0xEA00] =	vst v1  }
0x95: {  	[tilespmem:$0xEA80] =	vst v1  }
0x96: {  	[tilespmem:$0xEB00] =	vst v1  }
0x97: {  	[tilespmem:$0xEB80] =	vst v1  }
0x98: {  	[tilespmem:$0xEC00] =	vst v1  }
0x99: {  	[tilespmem:$0xEC80] =	vst v1  }
0x9a: {  	[tilespmem:$0xED00] =	vst v1  }
0x9b: {  	[tilespmem:$0xED80] =	vst v1  }
0x9c: {  	[tilespmem:$0xEE00] =	vst v1  }
0x9d: {  	[tilespmem:$0xEE80] =	vst v1  }
0x9e: {  	[tilespmem:$0xEF00] =	vst v1  }
0x9f: {  	[tilespmem:$0xEF80] =	vst v1  }
0xa0: {  	[tilespmem:$0xF000] =	vst v1  }
0xa1: {  	[tilespmem:$0xF080] =	vst v1  }
0xa2: {  	s28 =	simm.s32 $0x0;
	s29 =	simm.s32 $0x0;
	[bflag:$0x0] =	sbarrier.arrive $0xFFFF  }
.LBB2_4:
0xa3: {  	s30 =	smul.u32 $0x28, s29;
	_ =	sdelay $0x1  }
0xa4: {  	s30 =	sadd.s32 s16, s30  }
0xa5: {  	s31 =	sshrl.u32 s30, $0x3  }
0xa6: {  	s20 =	sadd.s32 s2, s31  }
0xa7: {  	[tilespmem:s22], [sflag:$0x2] =	stream.linear.gather [hbm4b:s20+s28], $0x28, $0x38;
	[tilespmem:$0xF100] =	vst v63  }
0xa8: {  	_ =	swait.ge [sflag:s19], $0x28  }
0xa9: {  	[sflag:s19] =	ssyncset.done $0x0  }
0xaa: {  	s20 =	sadd.s32 s4, s31;
	[sflag:s19] =	ssyncadd.s32 $0xFFFFFFD8  }
0xab: {  	[tilespmem:s23], [sflag:$0x2] =	stream.linear.gather [hbm4b:s20+s28], $0x28, $0x38;
	[tilespmem:$0xF100] =	vst v63  }
0xac: {  	_ =	swait.ge [sflag:s19], $0x28  }
0xad: {  	[sflag:s19] =	ssyncset.done $0x0  }
0xae: {  	[sflag:s19] =	ssyncadd.s32 $0xFFFFFFD8  }
0xaf: {  	[tilespmem:s18], [sflag:$0x1] =	stream.indirect.gather [hbm4b:s0+s24], $0x80, s22, s24, $0xb8;
	[tilespmem:$0xF100] =	vst v63  }
0xb0: {  	_ =	swait.ge [sflag:s17], $0x1400  }
0xb1: {  	s20 =	sshll.u32 s30, $0x4;
	[sflag:s17] =	ssyncset.done $0x0  }
0xb2: {  	s20 =	sadd.s32 s1, s20;
	[sflag:s17] =	ssyncadd.s32 $0xFFFFEC00  }
0xb3: {  	[tilespmem:s25], [sflag:$0x2] =	stream.linear.gather [hbm4b:s20+s28], $0x1400, $0x38;
	[tilespmem:$0xF100] =	vst v63  }
0xb4: {  	_ =	swait.ge [sflag:s19], $0x1400  }
0xb5: {  	[sflag:s19] =	ssyncset.done $0x0  }
0xb6: {  	s31 =	simm.s32 $0x200;
	s30 =	simm.s32 $0x0;
	[sflag:s19] =	ssyncadd.s32 $0xFFFFEC00  }
.LBB2_5:
0xb7: {  	p0 =	sne.s32 s31, $0x4E00;
	v2 =	vld [tilespmem:s30+$0xC970]  }
0xb8: {  	v3 =	vld [tilespmem:s30+$0xC900]  }
0xb9: {  	v4 =	vld [tilespmem:s30+$0xC910]  }
0xba: {  	v5 =	vld [tilespmem:s30+$0xC920]  }
0xbb: {  	v6 =	vld [tilespmem:s30+$0xC930]  }
0xbc: {  	[tilespmem:s30+$0xB570] =	vst.add.f32.msk $0xffff, v2  }
0xbd: {  	v2 =	vld [tilespmem:s30+$0xC940]  }
0xbe: {  	v7 =	vld [tilespmem:s30+$0xC950]  }
0xbf: {  	v8 =	vld [tilespmem:s30+$0xC960]  }
0xc0: {  	[tilespmem:s30+$0xB500] =	vst.add.f32.msk $0xffff, v3  }
0xc1: {  	[tilespmem:s30+$0xB510] =	vst.add.f32.msk $0xffff, v4  }
.Ltmp1:
0xc2: {  	[tilespmem:s30+$0xB520] =	vst.add.f32.msk $0xffff, v5;
	(pc) =	sbr.rel @p0 .LBB2_5-.Ltmp1, $4  }
0xc3: {  	[tilespmem:s30+$0xB530] =	vst.add.f32.msk $0xffff, v6  }
0xc4: {  	[tilespmem:s30+$0xB540] =	vst.add.f32.msk $0xffff, v2  }
0xc5: {  	[tilespmem:s30+$0xB550] =	vst.add.f32.msk $0xffff, v7  }
0xc6: {  	[tilespmem:s30+$0xB560] =	vst.add.f32.msk $0xffff, v8;
	s30 =	sshra.s32 s31, $0x2;
	s31 =	sadd.s32 $0x200, s31  }
0xc7: {  	v2 =	vld [tilespmem:s30+$0xC970]  }
0xc8: {  	v3 =	vld [tilespmem:s30+$0xC900]  }
0xc9: {  	v4 =	vld [tilespmem:s30+$0xC910]  }
0xca: {  	v5 =	vld [tilespmem:s30+$0xC920]  }
0xcb: {  	v6 =	vld [tilespmem:s30+$0xC930]  }
0xcc: {  	v7 =	vld [tilespmem:s30+$0xC950]  }
0xcd: {  	v8 =	vld [tilespmem:s30+$0xC960]  }
0xce: {  	[tilespmem:s30+$0xB570] =	vst.add.f32.msk $0xffff, v2  }
0xcf: {  	v2 =	vld [tilespmem:s30+$0xC940]  }
0xd0: {  	[tilespmem:s30+$0xB500] =	vst.add.f32.msk $0xffff, v3  }
0xd1: {  	[tilespmem:s30+$0xB510] =	vst.add.f32.msk $0xffff, v4  }
0xd2: {  	[tilespmem:s30+$0xB520] =	vst.add.f32.msk $0xffff, v5  }
0xd3: {  	[tilespmem:s30+$0xB530] =	vst.add.f32.msk $0xffff, v6  }
0xd4: {  	[tilespmem:s30+$0xB550] =	vst.add.f32.msk $0xffff, v7  }
0xd5: {  	[tilespmem:s30+$0xB560] =	vst.add.f32.msk $0xffff, v8  }
0xd6: {  	[tilespmem:s30+$0xB540] =	vst.add.f32.msk $0xffff, v2  }
0xd7: {  	[spmem:s5] =	stream.indirect.scatter.add.f32 [tilespmem:s18], [sflag:$0x2], $0x80, s23, s24, $0xb8;
	[tilespmem:$0xF100] =	vst v63  }
0xd8: {  	s29 =	sadd.s32 $0x1, s29;
	_ =	swait.ge [sflag:s19], $0x1400  }
0xd9: {  	p0 =	sne.s32 s29, $0xFA;
	[sflag:s19] =	ssyncset.done $0x0  }
.Ltmp2:
0xda: {  	[sflag:s19] =	ssyncadd.s32 $0xFFFFEC00;
	(pc) =	sbr.rel @p0 .LBB2_4-.Ltmp2, $4  }
0xdb: {  	[spmem:s6] =	stream.indirect.scatter.add.f32 [tilespmem:s21], [sflag:$0x2], $0x10, s23, s24, $0xb8;
	[tilespmem:$0xF100] =	vst v63  }
0xdc: {  	_ =	swait.ge [sflag:s19], $0x280  }
0xdd: {  	[sflag:s19] =	ssyncset.done $0x0  }
0xde: {  	[sflag:s19] =	ssyncadd.s32 $0xFFFFFD80  }
0xdf: {  	[bflag:$0x0] =	sbarrier.arrive $0xFFFF  }
0xe0: {  	[tilespmem:s18], [sflag:$0x2] =	stream.linear.gather [spmem:s10], $0x1400, $0x38;
	[tilespmem:$0xF100] =	vst v63  }
0xe1: {  	_ =	swait.ge [sflag:s19], $0x1400  }
0xe2: {  	[sflag:s19] =	ssyncset.done $0x0  }
0xe3: {  	s20 =	rddreg [dreg:$0x7];
	[sflag:s19] =	ssyncadd.s32 $0xFFFFEC00  }
0xe4: {  	[hbm4b:s20+s7] =	stream.linear.scatter [tilespmem:s18], [sflag:$0x2], $0x1400, $0x38;
	[tilespmem:$0xF100] =	vst v63  }
0xe5: {  	_ =	swait.ge [sflag:s19], $0x1400  }
0xe6: {  	[sflag:s19] =	ssyncset.done $0x0  }
0xe7: {  	[sflag:s19] =	ssyncadd.s32 $0xFFFFEC00  }
0xe8: {  	[tilespmem:s21], [sflag:$0x2] =	stream.linear.gather [spmem:s11], $0x1400, $0x38;
	[tilespmem:$0xF100] =	vst v63  }
0xe9: {  	_ =	swait.ge [sflag:s19], $0x1400  }
0xea: {  	[sflag:s19] =	ssyncset.done $0x0  }
0xeb: {  	s29 =	rddreg [dreg:$0x8];
	[sflag:s19] =	ssyncadd.s32 $0xFFFFEC00  }
0xec: {  	[hbm4b:s29+s7] =	stream.linear.scatter [tilespmem:s21], [sflag:$0x2], $0x1400, $0x38;
	[tilespmem:$0xF100] =	vst v63  }
0xed: {  	_ =	swait.ge [sflag:s19], $0x1400  }
0xee: {  	[sflag:s19] =	ssyncset.done $0x0  }
0xef: {  	[sflag:s19] =	ssyncadd.s32 $0xFFFFEC00  }
0xf0: {  	[tilespmem:s18], [sflag:$0x2] =	stream.linear.gather [spmem:s3], $0x1400, $0x38;
	[tilespmem:$0xF100] =	vst v63  }
0xf1: {  	_ =	swait.ge [sflag:s19], $0x1400  }
0xf2: {  	[sflag:s19] =	ssyncset.done $0x0  }
0xf3: {  	s30 =	smov.u32 s3;
	s3 =	rddreg [dreg:$0x9];
	[sflag:s19] =	ssyncadd.s32 $0xFFFFEC00  }
0xf4: {  	[hbm4b:s3+s7] =	stream.linear.scatter [tilespmem:s18], [sflag:$0x2], $0x1400, $0x38;
	[tilespmem:$0xF100] =	vst v63  }
0xf5: {  	_ =	swait.ge [sflag:s19], $0x1400  }
0xf6: {  	[sflag:s19] =	ssyncset.done $0x0  }
0xf7: {  	[sflag:s19] =	ssyncadd.s32 $0xFFFFEC00  }
0xf8: {  	[tilespmem:s21], [sflag:$0x2] =	stream.linear.gather [spmem:s8], $0x1400, $0x38;
	[tilespmem:$0xF100] =	vst v63  }
0xf9: {  	_ =	swait.ge [sflag:s19], $0x1400  }
0xfa: {  	[sflag:s19] =	ssyncset.done $0x0  }
0xfb: {  	s28 =	rddreg [dreg:$0xa];
	[sflag:s19] =	ssyncadd.s32 $0xFFFFEC00  }
0xfc: {  	[hbm4b:s28+s7] =	stream.linear.scatter [tilespmem:s21], [sflag:$0x2], $0x1400, $0x38;
	[tilespmem:$0xF100] =	vst v63  }
0xfd: {  	_ =	swait.ge [sflag:s19], $0x1400  }
0xfe: {  	[sflag:s19] =	ssyncset.done $0x0  }
0xff: {  	s29 =	rddreg [dreg:$0x17];
	[sflag:s19] =	ssyncadd.s32 $0xFFFFEC00  }
0x100: {  	[tilespmem:s18], [sflag:$0x2] =	stream.linear.gather [spmem:s29], $0x1400, $0x38;
	[tilespmem:$0xF100] =	vst v63  }
0x101: {  	_ =	swait.ge [sflag:s19], $0x1400  }
0x102: {  	[sflag:s19] =	ssyncset.done $0x0  }
0x103: {  	s31 =	smov.u32 s8;
	s8 =	rddreg [dreg:$0xb];
	[sflag:s19] =	ssyncadd.s32 $0xFFFFEC00  }
0x104: {  	[hbm4b:s8+s7] =	stream.linear.scatter [tilespmem:s18], [sflag:$0x2], $0x1400, $0x38;
	[tilespmem:$0xF100] =	vst v63  }
0x105: {  	_ =	swait.ge [sflag:s19], $0x1400  }
0x106: {  	[sflag:s19] =	ssyncset.done $0x0  }
0x107: {  	s20 =	rddreg [dreg:$0x18];
	[sflag:s19] =	ssyncadd.s32 $0xFFFFEC00  }
0x108: {  	[tilespmem:s21], [sflag:$0x2] =	stream.linear.gather [spmem:s20], $0x1400, $0x38;
	[tilespmem:$0xF100] =	vst v63  }
0x109: {  	_ =	swait.ge [sflag:s19], $0x1400  }
0x10a: {  	[sflag:s19] =	ssyncset.done $0x0  }
0x10b: {  	s28 =	rddreg [dreg:$0xc];
	[sflag:s19] =	ssyncadd.s32 $0xFFFFEC00  }
0x10c: {  	[hbm4b:s28+s7] =	stream.linear.scatter [tilespmem:s21], [sflag:$0x2], $0x1400, $0x38;
	[tilespmem:$0xF100] =	vst v63  }
0x10d: {  	_ =	swait.ge [sflag:s19], $0x1400  }
0x10e: {  	[sflag:s19] =	ssyncset.done $0x0  }
0x10f: {  	s29 =	rddreg [dreg:$0x19];
	[sflag:s19] =	ssyncadd.s32 $0xFFFFEC00  }
0x110: {  	[tilespmem:s18], [sflag:$0x2] =	stream.linear.gather [spmem:s29], $0x1400, $0x38;
	[tilespmem:$0xF100] =	vst v63  }
0x111: {  	_ =	swait.ge [sflag:s19], $0x1400  }
0x112: {  	[sflag:s19] =	ssyncset.done $0x0  }
0x113: {  	s8 =	rddreg [dreg:$0xd];
	[sflag:s19] =	ssyncadd.s32 $0xFFFFEC00  }
0x114: {  	[hbm4b:s8+s7] =	stream.linear.scatter [tilespmem:s18], [sflag:$0x2], $0x1400, $0x38;
	[tilespmem:$0xF100] =	vst v63  }
0x115: {  	_ =	swait.ge [sflag:s19], $0x1400  }
0x116: {  	[sflag:s19] =	ssyncset.done $0x0  }
0x117: {  	s20 =	rddreg [dreg:$0x1a];
	[sflag:s19] =	ssyncadd.s32 $0xFFFFEC00  }
0x118: {  	[tilespmem:s21], [sflag:$0x2] =	stream.linear.gather [spmem:s20], $0x1400, $0x38;
	[tilespmem:$0xF100] =	vst v63  }
0x119: {  	_ =	swait.ge [sflag:s19], $0x1400  }
0x11a: {  	[sflag:s19] =	ssyncset.done $0x0  }
0x11b: {  	s28 =	rddreg [dreg:$0xe];
	[sflag:s19] =	ssyncadd.s32 $0xFFFFEC00  }
0x11c: {  	[hbm4b:s28+s7] =	stream.linear.scatter [tilespmem:s21], [sflag:$0x2], $0x1400, $0x38;
	[tilespmem:$0xF100] =	vst v63  }
0x11d: {  	_ =	swait.ge [sflag:s19], $0x1400  }
0x11e: {  	[sflag:s19] =	ssyncset.done $0x0  }
0x11f: {  	s29 =	rddreg [dreg:$0x1b];
	[sflag:s19] =	ssyncadd.s32 $0xFFFFEC00  }
0x120: {  	[tilespmem:s18], [sflag:$0x2] =	stream.linear.gather [spmem:s29], $0x1400, $0x38;
	[tilespmem:$0xF100] =	vst v63  }
0x121: {  	_ =	swait.ge [sflag:s19], $0x1400  }
0x122: {  	[sflag:s19] =	ssyncset.done $0x0  }
0x123: {  	s8 =	rddreg [dreg:$0xf];
	[sflag:s19] =	ssyncadd.s32 $0xFFFFEC00  }
0x124: {  	[hbm4b:s8+s7] =	stream.linear.scatter [tilespmem:s18], [sflag:$0x2], $0x1400, $0x38;
	[tilespmem:$0xF100] =	vst v63  }
0x125: {  	_ =	swait.ge [sflag:s19], $0x1400  }
0x126: {  	[sflag:s19] =	ssyncset.done $0x0  }
0x127: {  	s20 =	rddreg [dreg:$0x1c];
	[sflag:s19] =	ssyncadd.s32 $0xFFFFEC00  }
0x128: {  	[tilespmem:s21], [sflag:$0x2] =	stream.linear.gather [spmem:s20], $0x1400, $0x38;
	[tilespmem:$0xF100] =	vst v63  }
0x129: {  	_ =	swait.ge [sflag:s19], $0x1400  }
0x12a: {  	[sflag:s19] =	ssyncset.done $0x0  }
0x12b: {  	s28 =	rddreg [dreg:$0x10];
	[sflag:s19] =	ssyncadd.s32 $0xFFFFEC00  }
0x12c: {  	[hbm4b:s28+s7] =	stream.linear.scatter [tilespmem:s21], [sflag:$0x2], $0x1400, $0x38;
	[tilespmem:$0xF100] =	vst v63  }
0x12d: {  	_ =	swait.ge [sflag:s19], $0x1400  }
0x12e: {  	[sflag:s19] =	ssyncset.done $0x0  }
0x12f: {  	s29 =	rddreg [dreg:$0x1d];
	[sflag:s19] =	ssyncadd.s32 $0xFFFFEC00  }
0x130: {  	[tilespmem:s18], [sflag:$0x2] =	stream.linear.gather [spmem:s29], $0x1400, $0x38;
	[tilespmem:$0xF100] =	vst v63  }
0x131: {  	_ =	swait.ge [sflag:s19], $0x1400  }
0x132: {  	[sflag:s19] =	ssyncset.done $0x0  }
0x133: {  	s8 =	rddreg [dreg:$0x11];
	[sflag:s19] =	ssyncadd.s32 $0xFFFFEC00  }
0x134: {  	[hbm4b:s8+s7] =	stream.linear.scatter [tilespmem:s18], [sflag:$0x2], $0x1400, $0x38;
	[tilespmem:$0xF100] =	vst v63  }
0x135: {  	_ =	swait.ge [sflag:s19], $0x1400  }
0x136: {  	[sflag:s19] =	ssyncset.done $0x0  }
0x137: {  	[sflag:s19] =	ssyncadd.s32 $0xFFFFEC00  }
0x138: {  	[tilespmem:s21], [sflag:$0x2] =	stream.linear.gather [spmem:s9], $0x1400, $0x38;
	[tilespmem:$0xF100] =	vst v63  }
0x139: {  	_ =	swait.ge [sflag:s19], $0x1400  }
0x13a: {  	[sflag:s19] =	ssyncset.done $0x0  }
0x13b: {  	s28 =	rddreg [dreg:$0x12];
	[sflag:s19] =	ssyncadd.s32 $0xFFFFEC00  }
0x13c: {  	[hbm4b:s28+s7] =	stream.linear.scatter [tilespmem:s21], [sflag:$0x2], $0x1400, $0x38;
	[tilespmem:$0xF100] =	vst v63  }
0x13d: {  	_ =	swait.ge [sflag:s19], $0x1400  }
0x13e: {  	[sflag:s19] =	ssyncset.done $0x0  }
0x13f: {  	[sflag:s19] =	ssyncadd.s32 $0xFFFFEC00  }
0x140: {  	[tilespmem:s18], [sflag:$0x2] =	stream.linear.gather [spmem:s12], $0x1400, $0x38;
	[tilespmem:$0xF100] =	vst v63  }
0x141: {  	_ =	swait.ge [sflag:s19], $0x1400  }
0x142: {  	[sflag:s19] =	ssyncset.done $0x0  }
0x143: {  	s29 =	rddreg [dreg:$0x13];
	[sflag:s19] =	ssyncadd.s32 $0xFFFFEC00  }
0x144: {  	[hbm4b:s29+s7] =	stream.linear.scatter [tilespmem:s18], [sflag:$0x2], $0x1400, $0x38;
	[tilespmem:$0xF100] =	vst v63  }
0x145: {  	_ =	swait.ge [sflag:s19], $0x1400  }
0x146: {  	[sflag:s19] =	ssyncset.done $0x0  }
0x147: {  	[sflag:s19] =	ssyncadd.s32 $0xFFFFEC00  }
0x148: {  	[tilespmem:s21], [sflag:$0x2] =	stream.linear.gather [spmem:s13], $0x1400, $0x38;
	[tilespmem:$0xF100] =	vst v63  }
0x149: {  	_ =	swait.ge [sflag:s19], $0x1400  }
0x14a: {  	[sflag:s19] =	ssyncset.done $0x0  }
0x14b: {  	s3 =	rddreg [dreg:$0x14];
	[sflag:s19] =	ssyncadd.s32 $0xFFFFEC00  }
0x14c: {  	[hbm4b:s3+s7] =	stream.linear.scatter [tilespmem:s21], [sflag:$0x2], $0x1400, $0x38;
	[tilespmem:$0xF100] =	vst v63  }
0x14d: {  	_ =	swait.ge [sflag:s19], $0x1400  }
0x14e: {  	[sflag:s19] =	ssyncset.done $0x0  }
0x14f: {  	[sflag:s19] =	ssyncadd.s32 $0xFFFFEC00  }
0x150: {  	[tilespmem:s18], [sflag:$0x2] =	stream.linear.gather [spmem:s14], $0x1400, $0x38;
	[tilespmem:$0xF100] =	vst v63  }
0x151: {  	_ =	swait.ge [sflag:s19], $0x1400  }
0x152: {  	[sflag:s19] =	ssyncset.done $0x0  }
0x153: {  	s8 =	rddreg [dreg:$0x15];
	[sflag:s19] =	ssyncadd.s32 $0xFFFFEC00  }
0x154: {  	[hbm4b:s8+s7] =	stream.linear.scatter [tilespmem:s18], [sflag:$0x2], $0x1400, $0x38;
	[tilespmem:$0xF100] =	vst v63  }
0x155: {  	_ =	swait.ge [sflag:s19], $0x1400  }
0x156: {  	[sflag:s19] =	ssyncset.done $0x0  }
0x157: {  	[sflag:s19] =	ssyncadd.s32 $0xFFFFEC00  }
0x158: {  	[tilespmem:s21], [sflag:$0x2] =	stream.linear.gather [spmem:s15], $0x1400, $0x38;
	[tilespmem:$0xF100] =	vst v63  }
0x159: {  	_ =	swait.ge [sflag:s19], $0x1400  }
0x15a: {  	[sflag:s19] =	ssyncset.done $0x0  }
0x15b: {  	s28 =	rddreg [dreg:$0x16];
	[sflag:s19] =	ssyncadd.s32 $0xFFFFEC00  }
0x15c: {  	[hbm4b:s28+s7] =	stream.linear.scatter [tilespmem:s21], [sflag:$0x2], $0x1400, $0x38;
	[tilespmem:$0xF100] =	vst v63  }
0x15d: {  	_ =	swait.ge [sflag:s19], $0x1400  }
0x15e: {  	s26 =	sadd.s32 $0x1, s26;
	s29 =	rddreg [dreg:$0x1e]  }
0x15f: {  	p0 =	sne.s32 s26, s29  }
.Ltmp3:
0x160: {  	_ = 	snop;
	(pc) =	sbr.rel @p0 .LBB2_1-.Ltmp3, $3  }
0x161: {  	_ =	sdelay $0x1  }
0x162: {  	[sflag:s19] =	ssyncset.done $0x0  }
0x163: {  	[sflag:s19] =	ssyncadd.s32 $0xFFFFEC00  }
0x164: {  	_ =	sfence.sel $0x180000  }
0x165: {  	[bflag:$0x0] =	sbarrier.arrive $0xFFFF  }
0x166: {  	_ =	strace $0x90000047  }
0x167: {  	s0 =	stileid.u32;
	[bflag:$0x2] =	sbarrier.arrive $0xFFFF  }
0x168: {  	p0 =	sne.s32 s0, $0x0;
	s0 =	rddreg [dreg:$0x6]  }
0x169: {  	s0 =	sadd.s32 @!p0 $0x100000, s0  }
0x16a: {  	[sflag:s0] =	ssyncadd.tile.s32 @!p0 $0x1;
	_ =	shalt  }
.Lfunc_end2:
_tile_overlayer_lowered:
.L_overlay_start_2:
0x16b: {  	(tag) =	ssettag $0x2  }
0x16c: {  	s0 =	rddreg [dreg:$0x0];
	s2 =	stileid.u32  }
0x16d: {  	s1 =	rddreg [dreg:$0x1];
	p0 =	sne.s32 s2, $0x0  }
0x16e: {  	s3 =	rddreg [dreg:$0x2];
	[bflag:$0x3] =	sbarrier.arrive $0xFFFF;
	s2 =	simm.s32 @!p0 $0x1C02  }
0x16f: {  	[timem:s3], [sflag:s2] =	dma.local @!p0 [hbm:s0], s1  }
0x170: {  	s0 =	simm.s32 @!p0 $0x2  }
0x171: {  	_ =	swait.ge @!p0 [sflag:s0], s1  }
0x172: {  	s1 =	ssub.s32 @!p0 $0x0, s1;
	[sflag:s0] =	ssyncset.done @!p0 $0x0  }
0x173: {  	[sflag:s0] =	ssyncadd.s32 @!p0 s1  }
0x174: {  	[bflag:$0x3] =	sbarrier.arrive $0xFFFF  }
0x175: {  	_ =	shalt  }

</sc_bundles>
